<compile_context>
chip_gen: v7x
topology: tpu7x:2x2x1
jax: 0.10.2.dev20260603
libtpu: 0.0.44.dev20260713+nightly
codegen_flags: <defaults>
</compile_context>

<pallas_src>
import functools

import jax
import jax.numpy as jnp
from jax import lax
from jax.experimental import pallas as pl
from jax.experimental.pallas import tpu as pltpu
from jax.experimental.pallas import tpu_sc as plsc

_LANES = 16


@functools.lru_cache(maxsize=None)
def _make_sc_gather(B: int, E: int):
    info = plsc.get_sparse_core_info()
    nw = info.num_cores * info.num_subcores
    bpw = B // nw
    nchunks = bpw // _LANES
    mesh = plsc.VectorSubcoreMesh(core_axis_name="c", subcore_axis_name="s")

    @functools.partial(
        pl.kernel,
        mesh=mesh,
        out_type=jax.ShapeDtypeStruct((B, 2 * E), jnp.float32),
        scratch_types=[
            pltpu.VMEM((bpw,), jnp.int32),
            pltpu.VMEM((bpw,), jnp.int32),
            pltpu.VMEM((bpw, 2 * E), jnp.float32),
            pltpu.SemaphoreType.DMA,
        ],
    )
    def sc_gather(uid_hbm, mid_hbm, utab, mtab, x_out, uidx, midx, xrows, sem):
        wid = lax.axis_index("s") * info.num_cores + lax.axis_index("c")
        base = wid * bpw
        pltpu.sync_copy(uid_hbm.at[pl.ds(base, bpw)], uidx)
        pltpu.sync_copy(mid_hbm.at[pl.ds(base, bpw)], midx)

        def chunk(c, carry):
            uvec = uidx[pl.ds(c * _LANES, _LANES)]
            mvec = midx[pl.ds(c * _LANES, _LANES)]
            for j in range(_LANES):
                r = c * _LANES + j
                pltpu.async_copy(utab.at[uvec[j]], xrows.at[r, pl.ds(0, E)], sem)
                pltpu.async_copy(mtab.at[mvec[j]], xrows.at[r, pl.ds(E, E)], sem)
            @pl.when(c >= 1)
            def _():
                pltpu.make_async_copy(
                    x_out.at[pl.ds(0, _LANES)],
                    xrows.at[pl.ds(0, _LANES)], sem).wait()

            return carry

        lax.fori_loop(0, nchunks, chunk, 0)
        pltpu.make_async_copy(
            x_out.at[pl.ds(0, _LANES)], xrows.at[pl.ds(0, _LANES)], sem).wait()

        pltpu.sync_copy(xrows, x_out.at[pl.ds(base, bpw)])

    return sc_gather


@functools.lru_cache(maxsize=None)
def _make_mlp(B: int, E: int, G: int, NG: int, H1: int, H2: int, bt: int):
    prec = lax.Precision.HIGHEST

    def body(x_ref, gen_ref, glen_ref, gt_ref,
             w1_ref, b1_ref, w2_ref, b2_ref, wfc_ref, bfc_ref, out_ref):
        f32 = jnp.float32
        glen = glen_ref[...]
        inv_len = 1.0 / jnp.maximum(glen, 1).astype(f32)
        iota = lax.broadcasted_iota(jnp.int32, (bt, NG), 1)
        gen = gen_ref[...]
        onehot = jnp.zeros((bt, NG), f32)
        for j in range(G):
            gj = gen[:, j:j + 1]
            wj = jnp.where(j < glen, inv_len, 0.0)
            onehot = onehot + jnp.where(gj == iota, wj, 0.0)
        gbag = jnp.dot(onehot, gt_ref[...],
                       preferred_element_type=f32, precision=prec)
        x = x_ref[...]
        u = x[:, :E]
        mr = x[:, E:] + gbag
        w1 = w1_ref[...]
        h1 = (jnp.dot(u, w1[:E, :], preferred_element_type=f32, precision=prec)
              + jnp.dot(mr, w1[E:, :], preferred_element_type=f32, precision=prec)
              + b1_ref[...])
        h1 = jnp.maximum(h1, 0.0)
        h2 = jnp.dot(h1, w2_ref[...], preferred_element_type=f32,
                     precision=prec) + b2_ref[...]
        o = jnp.dot(h2, wfc_ref[...], preferred_element_type=f32,
                    precision=prec) + bfc_ref[...]
        out_ref[...] = o

    return pl.pallas_call(
        body,
        grid=(B // bt,),
        in_specs=[
            pl.BlockSpec((bt, 2 * E), lambda i: (i, 0)),
            pl.BlockSpec((bt, G), lambda i: (i, 0)),
            pl.BlockSpec((bt, 1), lambda i: (i, 0)),
            pl.BlockSpec((NG, E), lambda i: (0, 0)),
            pl.BlockSpec((2 * E, H1), lambda i: (0, 0)),
            pl.BlockSpec((1, H1), lambda i: (0, 0)),
            pl.BlockSpec((H1, H2), lambda i: (0, 0)),
            pl.BlockSpec((1, H2), lambda i: (0, 0)),
            pl.BlockSpec((H2, 1), lambda i: (0, 0)),
            pl.BlockSpec((1, 1), lambda i: (0, 0)),
        ],
        out_specs=pl.BlockSpec((bt, 1), lambda i: (i, 0)),
        out_shape=jax.ShapeDtypeStruct((B, 1), jnp.float32),
    )


def kernel(user_data, movie_id, genres, genres_shape, user_table, movie_table,
           genre_table, W1, b1, W2, b2, Wfc, bfc):
    B = user_data.shape[0]
    E = user_table.shape[1]
    G = genres.shape[1]
    NG = genre_table.shape[0]
    H1 = W1.shape[1]
    H2 = W2.shape[1]

    x = _make_sc_gather(B, E)(user_data, movie_id, user_table, movie_table)

    mlp = _make_mlp(B, E, G, NG, H1, H2, bt=2048)
    out = mlp(x, genres, genres_shape.reshape(B, 1), genre_table,
              W1, b1.reshape(1, H1), W2, b2.reshape(1, H2),
              Wfc, bfc.reshape(1, 1))
    return out.squeeze(-1)

# --- scband reference (transcript-rebuilt; emitter-appended) ---
"""Pipeline reference for scband-dlrm-87540023427939 (READ-ONLY COPY).

The authoritative reference and input builder live on the scoring server;
editing this copy changes nothing except your own understanding.
"""

import jax, jax.numpy as jnp
import numpy as np

NUM_USERS = 1000000
NUM_MOVIES = 1000000
NUM_GENRES = 64
EMBED = 64
B = 16384
G = 4


def setup_inputs(seed: int = 0) -> dict:
    key = jax.random.key(seed)
    ks = jax.random.split(key, 13)
    user_data = jax.random.randint(ks[0], (B,), 0, NUM_USERS)
    movie_id = jax.random.randint(ks[1], (B,), 0, NUM_MOVIES)
    genres = jax.random.randint(ks[2], (B, G), 0, NUM_GENRES)
    genres_shape = jax.random.randint(ks[3], (B,), 0, G)
    user_table = jax.random.normal(ks[4], (NUM_USERS, EMBED), jnp.float32) * 0.01
    movie_table = jax.random.normal(ks[5], (NUM_MOVIES, EMBED), jnp.float32) * 0.01
    genre_table = jax.random.normal(ks[6], (NUM_GENRES, EMBED), jnp.float32) * 0.01
    W1 = jax.random.normal(ks[7], (2 * EMBED, 256), jnp.float32) * (1.0 / np.sqrt(2 * EMBED))
    b1 = jnp.zeros((256,), jnp.float32)
    W2 = jax.random.normal(ks[8], (256, 128), jnp.float32) * (1.0 / np.sqrt(256))
    b2 = jnp.zeros((128,), jnp.float32)
    Wfc = jax.random.normal(ks[9], (128, 1), jnp.float32) * (1.0 / np.sqrt(128))
    bfc = jnp.zeros((1,), jnp.float32)
    return {
        "user_data": user_data,
        "movie_id": movie_id,
        "genres": genres,
        "genres_shape": genres_shape,
        "user_table": user_table,
        "movie_table": movie_table,
        "genre_table": genre_table,
        "W1": W1,
        "b1": b1,
        "W2": W2,
        "b2": b2,
        "Wfc": Wfc,
        "bfc": bfc,
    }


def reference(user_data, movie_id, genres, genres_shape, user_table, movie_table,
              genre_table, W1, b1, W2, b2, Wfc, bfc):
    # user_embed: plain embedding lookup
    u = jnp.take(user_table, user_data, axis=0)  # [B, E]
    # movie_embed: movie-id lookup + mean embedding-bag over valid genres
    m = jnp.take(movie_table, movie_id, axis=0)  # [B, E]
    g = jnp.take(genre_table, genres, axis=0)    # [B, G, E]
    mask = (jnp.arange(G)[None, :] < genres_shape[:, None]).astype(jnp.float32)  # [B, G]
    lengths = jnp.maximum(genres_shape, 1).astype(jnp.float32)  # avoid div-by-zero
    gbag = (g * mask[:, :, None]).sum(axis=1) / lengths[:, None]  # [B, E]
    movie_embed = m + gbag
    # DLRM dense part: concat -> MLP([128,256,128]) with ReLU between -> fc -> squeeze
    x = jnp.concatenate([u, movie_embed], axis=1)  # [B, 2E]
    x = jax.nn.relu(x @ W1 + b1)
    x = x @ W2 + b2
    x = x @ Wfc + bfc  # [B, 1]
    return x.squeeze(-1)  # [B]

if __name__ == "__main__":
    import jax
    _d = setup_inputs()
    print(jax.jit(kernel)(*tuple(_d.values())))

</pallas_src>

<mosaic_0001>
#map = affine_map<(d0, d1) -> (0)>
#map1 = affine_map<(d0, d1) -> (0, 0)>
module attributes {stable_mosaic.version = 14 : i64} {
  func.func @sc_gather(%arg0: i32, %arg1: i32, %arg2: memref<16384xi32, #tpu.memory_space<hbm>>, %arg3: memref<16384xi32, #tpu.memory_space<hbm>>, %arg4: memref<1000000x64xf32, #tpu.memory_space<hbm>>, %arg5: memref<1000000x64xf32, #tpu.memory_space<hbm>>, %arg6: memref<16384x128xf32, #tpu.memory_space<hbm>>, %arg7: memref<512xi32, #tpu.memory_space<vmem>>, %arg8: memref<512xi32, #tpu.memory_space<vmem>>, %arg9: memref<512x128xf32, #tpu.memory_space<vmem>>, %arg10: memref<!tpu.dma_semaphore, #tpu.memory_space<semaphore_mem>>) attributes {dimension_semantics = [#tpu.dimension_semantics<core_parallel>, #tpu.dimension_semantics<subcore_parallel>], iteration_bounds = array<i64: 2, 16>, scalar_prefetch = 0 : i64, scratch_operands = 4 : i64, tpu.core_type = #tpu.core_type<sc_vector_subcore>, window_params = [{transform_indices = #map}, {transform_indices = #map}, {transform_indices = #map1}, {transform_indices = #map1}, {transform_indices = #map1}]} {
    %mul3A = arith.constant 2 : i32
    %mul3A_0 = arith.muli %arg1, %mul3A : i32
    %add3A = arith.addi %mul3A_0, %arg0 : i32
    %mul3A_1 = arith.constant 512 : i32
    %mul3A_2 = arith.muli %add3A, %mul3A_1 : i32
    "tpu.region"() ({
      %run_scoped3A = tpu.sem_alloc : memref<!tpu.dma_semaphore, #tpu.memory_space<semaphore_mem>>
      %dma_start3A = tpu.memref_slice %arg2[%mul3A_2] : memref<16384xi32, #tpu.memory_space<hbm>> -> memref<512xi32, #tpu.memory_space<hbm>>
      %dma_start3A_19 = tpu.memref_slice %arg2[%mul3A_2] : memref<16384xi32, #tpu.memory_space<hbm>> -> memref<512xi32, #tpu.memory_space<hbm>>
      tpu.enqueue_dma source(%dma_start3A_19 : memref<512xi32, #tpu.memory_space<hbm>>) target(%arg7 : memref<512xi32, #tpu.memory_space<vmem>>) target_semaphore(%run_scoped3A : memref<!tpu.dma_semaphore, #tpu.memory_space<semaphore_mem>>)
      %dma_wait3A_20 = tpu.memref_slice %arg2[%mul3A_2] : memref<16384xi32, #tpu.memory_space<hbm>> -> memref<512xi32, #tpu.memory_space<hbm>>
      %dma_wait3A_21 = tpu.memref_slice %arg2[%mul3A_2] : memref<16384xi32, #tpu.memory_space<hbm>> -> memref<512xi32, #tpu.memory_space<hbm>>
      tpu.wait_dma2 semaphore(%run_scoped3A : memref<!tpu.dma_semaphore, #tpu.memory_space<semaphore_mem>>) src(%dma_wait3A_21 : memref<512xi32, #tpu.memory_space<hbm>>) dst(%arg7 : memref<512xi32, #tpu.memory_space<vmem>>)
      tpu.yield
    }) : () -> ()
    "tpu.region"() ({
      %run_scoped3A = tpu.sem_alloc : memref<!tpu.dma_semaphore, #tpu.memory_space<semaphore_mem>>
      %dma_start3A = tpu.memref_slice %arg3[%mul3A_2] : memref<16384xi32, #tpu.memory_space<hbm>> -> memref<512xi32, #tpu.memory_space<hbm>>
      %dma_start3A_19 = tpu.memref_slice %arg3[%mul3A_2] : memref<16384xi32, #tpu.memory_space<hbm>> -> memref<512xi32, #tpu.memory_space<hbm>>
      tpu.enqueue_dma source(%dma_start3A_19 : memref<512xi32, #tpu.memory_space<hbm>>) target(%arg8 : memref<512xi32, #tpu.memory_space<vmem>>) target_semaphore(%run_scoped3A : memref<!tpu.dma_semaphore, #tpu.memory_space<semaphore_mem>>)
      %dma_wait3A_20 = tpu.memref_slice %arg3[%mul3A_2] : memref<16384xi32, #tpu.memory_space<hbm>> -> memref<512xi32, #tpu.memory_space<hbm>>
      %dma_wait3A_21 = tpu.memref_slice %arg3[%mul3A_2] : memref<16384xi32, #tpu.memory_space<hbm>> -> memref<512xi32, #tpu.memory_space<hbm>>
      tpu.wait_dma2 semaphore(%run_scoped3A : memref<!tpu.dma_semaphore, #tpu.memory_space<semaphore_mem>>) src(%dma_wait3A_21 : memref<512xi32, #tpu.memory_space<hbm>>) dst(%arg8 : memref<512xi32, #tpu.memory_space<vmem>>)
      tpu.yield
    }) : () -> ()
    %scan3A = arith.constant 0 : i32
    %scan3A_3 = arith.constant 0 : i32
    %scan3A_4 = arith.constant 32 : i32
    %scan3A_5 = arith.addi %scan3A_3, %scan3A_4 : i32
    %scan3A_6 = arith.constant 1 : i32
    scf.for %scan3A_19 = %scan3A_3 to %scan3A_5 step %scan3A_6  : i32 {
      %mul3A_20 = arith.constant 16 : i32
      %mul3A_21 = arith.muli %scan3A_19, %mul3A_20 : i32
      %get3A = arith.index_cast %mul3A_21 : i32 to index
      %get3A_22 = tpu.vector_load %arg7[%get3A] {strides = array<i32>} : memref<512xi32, #tpu.memory_space<vmem>>, vector<16xi32>,
      %get3A_23 = vector.shape_cast %get3A_22 : vector<16xi32> to vector<16xi32>
      %mul3A_24 = arith.constant 16 : i32
      %mul3A_25 = arith.muli %scan3A_19, %mul3A_24 : i32
      %get3A_26 = arith.index_cast %mul3A_25 : i32 to index
      %get3A_27 = tpu.vector_load %arg8[%get3A_26] {strides = array<i32>} : memref<512xi32, #tpu.memory_space<vmem>>, vector<16xi32>,
      %get3A_28 = vector.shape_cast %get3A_27 : vector<16xi32> to vector<16xi32>
      %mul3A_29 = arith.constant 16 : i32
      %mul3A_30 = arith.muli %scan3A_19, %mul3A_29 : i32
      %add3A_31 = arith.constant 0 : i32
      %add3A_32 = arith.addi %mul3A_30, %add3A_31 : i32
      %slice3A = vector.extract_strided_slice %get3A_23 {offsets = [0], sizes = [1], strides = [1]} : vector<16xi32> to vector<1xi32>
      %squeeze3A = vector.extract %slice3A[0] : i32 from vector<1xi32>
      %dma_start3A = arith.constant 0 : i32
      %dma_start3A_33 = tpu.memref_slice %arg9[%add3A_32, %dma_start3A] : memref<512x128xf32, #tpu.memory_space<vmem>> -> memref<1x64xf32, #tpu.memory_space<vmem>>
      %dma_start3A_34 = tpu.memref_squeeze %dma_start3A_33 : memref<1x64xf32, #tpu.memory_space<vmem>> -> memref<64xf32, #tpu.memory_space<vmem>>
      %dma_start3A_35 = arith.constant 0 : i32
      %dma_start3A_36 = tpu.memref_slice %arg4[%squeeze3A, %dma_start3A_35] : memref<1000000x64xf32, #tpu.memory_space<hbm>> -> memref<1x64xf32, #tpu.memory_space<hbm>>
      %dma_start3A_37 = tpu.memref_squeeze %dma_start3A_36 : memref<1x64xf32, #tpu.memory_space<hbm>> -> memref<64xf32, #tpu.memory_space<hbm>>
      %dma_start3A_38 = arith.constant 0 : i32
      %dma_start3A_39 = tpu.memref_slice %arg9[%add3A_32, %dma_start3A_38] : memref<512x128xf32, #tpu.memory_space<vmem>> -> memref<1x64xf32, #tpu.memory_space<vmem>>
      %dma_start3A_40 = tpu.memref_squeeze %dma_start3A_39 : memref<1x64xf32, #tpu.memory_space<vmem>> -> memref<64xf32, #tpu.memory_space<vmem>>
      %dma_start3A_41 = arith.constant 0 : i32
      %dma_start3A_42 = tpu.memref_slice %arg4[%squeeze3A, %dma_start3A_41] : memref<1000000x64xf32, #tpu.memory_space<hbm>> -> memref<1x64xf32, #tpu.memory_space<hbm>>
      %dma_start3A_43 = tpu.memref_squeeze %dma_start3A_42 : memref<1x64xf32, #tpu.memory_space<hbm>> -> memref<64xf32, #tpu.memory_space<hbm>>
      tpu.enqueue_dma source(%dma_start3A_43 : memref<64xf32, #tpu.memory_space<hbm>>) target(%dma_start3A_40 : memref<64xf32, #tpu.memory_space<vmem>>) target_semaphore(%arg10 : memref<!tpu.dma_semaphore, #tpu.memory_space<semaphore_mem>>)
      %slice3A_44 = vector.extract_strided_slice %get3A_28 {offsets = [0], sizes = [1], strides = [1]} : vector<16xi32> to vector<1xi32>
      %squeeze3A_45 = vector.extract %slice3A_44[0] : i32 from vector<1xi32>
      %dma_start3A_46 = arith.constant 64 : i32
      %dma_start3A_47 = tpu.memref_slice %arg9[%add3A_32, %dma_start3A_46] : memref<512x128xf32, #tpu.memory_space<vmem>> -> memref<1x64xf32, #tpu.memory_space<vmem>>
      %dma_start3A_48 = tpu.memref_squeeze %dma_start3A_47 : memref<1x64xf32, #tpu.memory_space<vmem>> -> memref<64xf32, #tpu.memory_space<vmem>>
      %dma_start3A_49 = arith.constant 0 : i32
      %dma_start3A_50 = tpu.memref_slice %arg5[%squeeze3A_45, %dma_start3A_49] : memref<1000000x64xf32, #tpu.memory_space<hbm>> -> memref<1x64xf32, #tpu.memory_space<hbm>>
      %dma_start3A_51 = tpu.memref_squeeze %dma_start3A_50 : memref<1x64xf32, #tpu.memory_space<hbm>> -> memref<64xf32, #tpu.memory_space<hbm>>
      %dma_start3A_52 = arith.constant 64 : i32
      %dma_start3A_53 = tpu.memref_slice %arg9[%add3A_32, %dma_start3A_52] : memref<512x128xf32, #tpu.memory_space<vmem>> -> memref<1x64xf32, #tpu.memory_space<vmem>>
      %dma_start3A_54 = tpu.memref_squeeze %dma_start3A_53 : memref<1x64xf32, #tpu.memory_space<vmem>> -> memref<64xf32, #tpu.memory_space<vmem>>
      %dma_start3A_55 = arith.constant 0 : i32
      %dma_start3A_56 = tpu.memref_slice %arg5[%squeeze3A_45, %dma_start3A_55] : memref<1000000x64xf32, #tpu.memory_space<hbm>> -> memref<1x64xf32, #tpu.memory_space<hbm>>
      %dma_start3A_57 = tpu.memref_squeeze %dma_start3A_56 : memref<1x64xf32, #tpu.memory_space<hbm>> -> memref<64xf32, #tpu.memory_space<hbm>>
      tpu.enqueue_dma source(%dma_start3A_57 : memref<64xf32, #tpu.memory_space<hbm>>) target(%dma_start3A_54 : memref<64xf32, #tpu.memory_space<vmem>>) target_semaphore(%arg10 : memref<!tpu.dma_semaphore, #tpu.memory_space<semaphore_mem>>)
      %mul3A_58 = arith.constant 16 : i32
      %mul3A_59 = arith.muli %scan3A_19, %mul3A_58 : i32
      %add3A_60 = arith.constant 1 : i32
      %add3A_61 = arith.addi %mul3A_59, %add3A_60 : i32
      %slice3A_62 = vector.extract_strided_slice %get3A_23 {offsets = [1], sizes = [1], strides = [1]} : vector<16xi32> to vector<1xi32>
      %squeeze3A_63 = vector.extract %slice3A_62[0] : i32 from vector<1xi32>
      %dma_start3A_64 = arith.constant 0 : i32
      %dma_start3A_65 = tpu.memref_slice %arg9[%add3A_61, %dma_start3A_64] : memref<512x128xf32, #tpu.memory_space<vmem>> -> memref<1x64xf32, #tpu.memory_space<vmem>>
      %dma_start3A_66 = tpu.memref_squeeze %dma_start3A_65 : memref<1x64xf32, #tpu.memory_space<vmem>> -> memref<64xf32, #tpu.memory_space<vmem>>
      %dma_start3A_67 = arith.constant 0 : i32
      %dma_start3A_68 = tpu.memref_slice %arg4[%squeeze3A_63, %dma_start3A_67] : memref<1000000x64xf32, #tpu.memory_space<hbm>> -> memref<1x64xf32, #tpu.memory_space<hbm>>
      %dma_start3A_69 = tpu.memref_squeeze %dma_start3A_68 : memref<1x64xf32, #tpu.memory_space<hbm>> -> memref<64xf32, #tpu.memory_space<hbm>>
      %dma_start3A_70 = arith.constant 0 : i32
      %dma_start3A_71 = tpu.memref_slice %arg9[%add3A_61, %dma_start3A_70] : memref<512x128xf32, #tpu.memory_space<vmem>> -> memref<1x64xf32, #tpu.memory_space<vmem>>
      %dma_start3A_72 = tpu.memref_squeeze %dma_start3A_71 : memref<1x64xf32, #tpu.memory_space<vmem>> -> memref<64xf32, #tpu.memory_space<vmem>>
      %dma_start3A_73 = arith.constant 0 : i32
      %dma_start3A_74 = tpu.memref_slice %arg4[%squeeze3A_63, %dma_start3A_73] : memref<1000000x64xf32, #tpu.memory_space<hbm>> -> memref<1x64xf32, #tpu.memory_space<hbm>>
      %dma_start3A_75 = tpu.memref_squeeze %dma_start3A_74 : memref<1x64xf32, #tpu.memory_space<hbm>> -> memref<64xf32, #tpu.memory_space<hbm>>
      tpu.enqueue_dma source(%dma_start3A_75 : memref<64xf32, #tpu.memory_space<hbm>>) target(%dma_start3A_72 : memref<64xf32, #tpu.memory_space<vmem>>) target_semaphore(%arg10 : memref<!tpu.dma_semaphore, #tpu.memory_space<semaphore_mem>>)
      %slice3A_76 = vector.extract_strided_slice %get3A_28 {offsets = [1], sizes = [1], strides = [1]} : vector<16xi32> to vector<1xi32>
      %squeeze3A_77 = vector.extract %slice3A_76[0] : i32 from vector<1xi32>
      %dma_start3A_78 = arith.constant 64 : i32
      %dma_start3A_79 = tpu.memref_slice %arg9[%add3A_61, %dma_start3A_78] : memref<512x128xf32, #tpu.memory_space<vmem>> -> memref<1x64xf32, #tpu.memory_space<vmem>>
      %dma_start3A_80 = tpu.memref_squeeze %dma_start3A_79 : memref<1x64xf32, #tpu.memory_space<vmem>> -> memref<64xf32, #tpu.memory_space<vmem>>
      %dma_start3A_81 = arith.constant 0 : i32
      %dma_start3A_82 = tpu.memref_slice %arg5[%squeeze3A_77, %dma_start3A_81] : memref<1000000x64xf32, #tpu.memory_space<hbm>> -> memref<1x64xf32, #tpu.memory_space<hbm>>
      %dma_start3A_83 = tpu.memref_squeeze %dma_start3A_82 : memref<1x64xf32, #tpu.memory_space<hbm>> -> memref<64xf32, #tpu.memory_space<hbm>>
      %dma_start3A_84 = arith.constant 64 : i32
      %dma_start3A_85 = tpu.memref_slice %arg9[%add3A_61, %dma_start3A_84] : memref<512x128xf32, #tpu.memory_space<vmem>> -> memref<1x64xf32, #tpu.memory_space<vmem>>
      %dma_start3A_86 = tpu.memref_squeeze %dma_start3A_85 : memref<1x64xf32, #tpu.memory_space<vmem>> -> memref<64xf32, #tpu.memory_space<vmem>>
      %dma_start3A_87 = arith.constant 0 : i32
      %dma_start3A_88 = tpu.memref_slice %arg5[%squeeze3A_77, %dma_start3A_87] : memref<1000000x64xf32, #tpu.memory_space<hbm>> -> memref<1x64xf32, #tpu.memory_space<hbm>>
      %dma_start3A_89 = tpu.memref_squeeze %dma_start3A_88 : memref<1x64xf32, #tpu.memory_space<hbm>> -> memref<64xf32, #tpu.memory_space<hbm>>
      tpu.enqueue_dma source(%dma_start3A_89 : memref<64xf32, #tpu.memory_space<hbm>>) target(%dma_start3A_86 : memref<64xf32, #tpu.memory_space<vmem>>) target_semaphore(%arg10 : memref<!tpu.dma_semaphore, #tpu.memory_space<semaphore_mem>>)
      %mul3A_90 = arith.constant 16 : i32
      %mul3A_91 = arith.muli %scan3A_19, %mul3A_90 : i32
      %add3A_92 = arith.constant 2 : i32
      %add3A_93 = arith.addi %mul3A_91, %add3A_92 : i32
      %slice3A_94 = vector.extract_strided_slice %get3A_23 {offsets = [2], sizes = [1], strides = [1]} : vector<16xi32> to vector<1xi32>
      %squeeze3A_95 = vector.extract %slice3A_94[0] : i32 from vector<1xi32>
      %dma_start3A_96 = arith.constant 0 : i32
      %dma_start3A_97 = tpu.memref_slice %arg9[%add3A_93, %dma_start3A_96] : memref<512x128xf32, #tpu.memory_space<vmem>> -> memref<1x64xf32, #tpu.memory_space<vmem>>
      %dma_start3A_98 = tpu.memref_squeeze %dma_start3A_97 : memref<1x64xf32, #tpu.memory_space<vmem>> -> memref<64xf32, #tpu.memory_space<vmem>>
      %dma_start3A_99 = arith.constant 0 : i32
      %dma_start3A_100 = tpu.memref_slice %arg4[%squeeze3A_95, %dma_start3A_99] : memref<1000000x64xf32, #tpu.memory_space<hbm>> -> memref<1x64xf32, #tpu.memory_space<hbm>>
      %dma_start3A_101 = tpu.memref_squeeze %dma_start3A_100 : memref<1x64xf32, #tpu.memory_space<hbm>> -> memref<64xf32, #tpu.memory_space<hbm>>
      %dma_start3A_102 = arith.constant 0 : i32
      %dma_start3A_103 = tpu.memref_slice %arg9[%add3A_93, %dma_start3A_102] : memref<512x128xf32, #tpu.memory_space<vmem>> -> memref<1x64xf32, #tpu.memory_space<vmem>>
      %dma_start3A_104 = tpu.memref_squeeze %dma_start3A_103 : memref<1x64xf32, #tpu.memory_space<vmem>> -> memref<64xf32, #tpu.memory_space<vmem>>
      %dma_start3A_105 = arith.constant 0 : i32
      %dma_start3A_106 = tpu.memref_slice %arg4[%squeeze3A_95, %dma_start3A_105] : memref<1000000x64xf32, #tpu.memory_space<hbm>> -> memref<1x64xf32, #tpu.memory_space<hbm>>
      %dma_start3A_107 = tpu.memref_squeeze %dma_start3A_106 : memref<1x64xf32, #tpu.memory_space<hbm>> -> memref<64xf32, #tpu.memory_space<hbm>>
      tpu.enqueue_dma source(%dma_start3A_107 : memref<64xf32, #tpu.memory_space<hbm>>) target(%dma_start3A_104 : memref<64xf32, #tpu.memory_space<vmem>>) target_semaphore(%arg10 : memref<!tpu.dma_semaphore, #tpu.memory_space<semaphore_mem>>)
      %slice3A_108 = vector.extract_strided_slice %get3A_28 {offsets = [2], sizes = [1], strides = [1]} : vector<16xi32> to vector<1xi32>
      %squeeze3A_109 = vector.extract %slice3A_108[0] : i32 from vector<1xi32>
      %dma_start3A_110 = arith.constant 64 : i32
      %dma_start3A_111 = tpu.memref_slice %arg9[%add3A_93, %dma_start3A_110] : memref<512x128xf32, #tpu.memory_space<vmem>> -> memref<1x64xf32, #tpu.memory_space<vmem>>
      %dma_start3A_112 = tpu.memref_squeeze %dma_start3A_111 : memref<1x64xf32, #tpu.memory_space<vmem>> -> memref<64xf32, #tpu.memory_space<vmem>>
      %dma_start3A_113 = arith.constant 0 : i32
      %dma_start3A_114 = tpu.memref_slice %arg5[%squeeze3A_109, %dma_start3A_113] : memref<1000000x64xf32, #tpu.memory_space<hbm>> -> memref<1x64xf32, #tpu.memory_space<hbm>>
      %dma_start3A_115 = tpu.memref_squeeze %dma_start3A_114 : memref<1x64xf32, #tpu.memory_space<hbm>> -> memref<64xf32, #tpu.memory_space<hbm>>
      %dma_start3A_116 = arith.constant 64 : i32
      %dma_start3A_117 = tpu.memref_slice %arg9[%add3A_93, %dma_start3A_116] : memref<512x128xf32, #tpu.memory_space<vmem>> -> memref<1x64xf32, #tpu.memory_space<vmem>>
      %dma_start3A_118 = tpu.memref_squeeze %dma_start3A_117 : memref<1x64xf32, #tpu.memory_space<vmem>> -> memref<64xf32, #tpu.memory_space<vmem>>
      %dma_start3A_119 = arith.constant 0 : i32
      %dma_start3A_120 = tpu.memref_slice %arg5[%squeeze3A_109, %dma_start3A_119] : memref<1000000x64xf32, #tpu.memory_space<hbm>> -> memref<1x64xf32, #tpu.memory_space<hbm>>
      %dma_start3A_121 = tpu.memref_squeeze %dma_start3A_120 : memref<1x64xf32, #tpu.memory_space<hbm>> -> memref<64xf32, #tpu.memory_space<hbm>>
      tpu.enqueue_dma source(%dma_start3A_121 : memref<64xf32, #tpu.memory_space<hbm>>) target(%dma_start3A_118 : memref<64xf32, #tpu.memory_space<vmem>>) target_semaphore(%arg10 : memref<!tpu.dma_semaphore, #tpu.memory_space<semaphore_mem>>)
      %mul3A_122 = arith.constant 16 : i32
      %mul3A_123 = arith.muli %scan3A_19, %mul3A_122 : i32
      %add3A_124 = arith.constant 3 : i32
      %add3A_125 = arith.addi %mul3A_123, %add3A_124 : i32
      %slice3A_126 = vector.extract_strided_slice %get3A_23 {offsets = [3], sizes = [1], strides = [1]} : vector<16xi32> to vector<1xi32>
      %squeeze3A_127 = vector.extract %slice3A_126[0] : i32 from vector<1xi32>
      %dma_start3A_128 = arith.constant 0 : i32
      %dma_start3A_129 = tpu.memref_slice %arg9[%add3A_125, %dma_start3A_128] : memref<512x128xf32, #tpu.memory_space<vmem>> -> memref<1x64xf32, #tpu.memory_space<vmem>>
      %dma_start3A_130 = tpu.memref_squeeze %dma_start3A_129 : memref<1x64xf32, #tpu.memory_space<vmem>> -> memref<64xf32, #tpu.memory_space<vmem>>
      %dma_start3A_131 = arith.constant 0 : i32
      %dma_start3A_132 = tpu.memref_slice %arg4[%squeeze3A_127, %dma_start3A_131] : memref<1000000x64xf32, #tpu.memory_space<hbm>> -> memref<1x64xf32, #tpu.memory_space<hbm>>
      %dma_start3A_133 = tpu.memref_squeeze %dma_start3A_132 : memref<1x64xf32, #tpu.memory_space<hbm>> -> memref<64xf32, #tpu.memory_space<hbm>>
      %dma_start3A_134 = arith.constant 0 : i32
      %dma_start3A_135 = tpu.memref_slice %arg9[%add3A_125, %dma_start3A_134] : memref<512x128xf32, #tpu.memory_space<vmem>> -> memref<1x64xf32, #tpu.memory_space<vmem>>
      %dma_start3A_136 = tpu.memref_squeeze %dma_start3A_135 : memref<1x64xf32, #tpu.memory_space<vmem>> -> memref<64xf32, #tpu.memory_space<vmem>>
      %dma_start3A_137 = arith.constant 0 : i32
      %dma_start3A_138 = tpu.memref_slice %arg4[%squeeze3A_127, %dma_start3A_137] : memref<1000000x64xf32, #tpu.memory_space<hbm>> -> memref<1x64xf32, #tpu.memory_space<hbm>>
      %dma_start3A_139 = tpu.memref_squeeze %dma_start3A_138 : memref<1x64xf32, #tpu.memory_space<hbm>> -> memref<64xf32, #tpu.memory_space<hbm>>
      tpu.enqueue_dma source(%dma_start3A_139 : memref<64xf32, #tpu.memory_space<hbm>>) target(%dma_start3A_136 : memref<64xf32, #tpu.memory_space<vmem>>) target_semaphore(%arg10 : memref<!tpu.dma_semaphore, #tpu.memory_space<semaphore_mem>>)
      %slice3A_140 = vector.extract_strided_slice %get3A_28 {offsets = [3], sizes = [1], strides = [1]} : vector<16xi32> to vector<1xi32>
      %squeeze3A_141 = vector.extract %slice3A_140[0] : i32 from vector<1xi32>
      %dma_start3A_142 = arith.constant 64 : i32
      %dma_start3A_143 = tpu.memref_slice %arg9[%add3A_125, %dma_start3A_142] : memref<512x128xf32, #tpu.memory_space<vmem>> -> memref<1x64xf32, #tpu.memory_space<vmem>>
      %dma_start3A_144 = tpu.memref_squeeze %dma_start3A_143 : memref<1x64xf32, #tpu.memory_space<vmem>> -> memref<64xf32, #tpu.memory_space<vmem>>
      %dma_start3A_145 = arith.constant 0 : i32
      %dma_start3A_146 = tpu.memref_slice %arg5[%squeeze3A_141, %dma_start3A_145] : memref<1000000x64xf32, #tpu.memory_space<hbm>> -> memref<1x64xf32, #tpu.memory_space<hbm>>
      %dma_start3A_147 = tpu.memref_squeeze %dma_start3A_146 : memref<1x64xf32, #tpu.memory_space<hbm>> -> memref<64xf32, #tpu.memory_space<hbm>>
      %dma_start3A_148 = arith.constant 64 : i32
      %dma_start3A_149 = tpu.memref_slice %arg9[%add3A_125, %dma_start3A_148] : memref<512x128xf32, #tpu.memory_space<vmem>> -> memref<1x64xf32, #tpu.memory_space<vmem>>
      %dma_start3A_150 = tpu.memref_squeeze %dma_start3A_149 : memref<1x64xf32, #tpu.memory_space<vmem>> -> memref<64xf32, #tpu.memory_space<vmem>>
      %dma_start3A_151 = arith.constant 0 : i32
      %dma_start3A_152 = tpu.memref_slice %arg5[%squeeze3A_141, %dma_start3A_151] : memref<1000000x64xf32, #tpu.memory_space<hbm>> -> memref<1x64xf32, #tpu.memory_space<hbm>>
      %dma_start3A_153 = tpu.memref_squeeze %dma_start3A_152 : memref<1x64xf32, #tpu.memory_space<hbm>> -> memref<64xf32, #tpu.memory_space<hbm>>
      tpu.enqueue_dma source(%dma_start3A_153 : memref<64xf32, #tpu.memory_space<hbm>>) target(%dma_start3A_150 : memref<64xf32, #tpu.memory_space<vmem>>) target_semaphore(%arg10 : memref<!tpu.dma_semaphore, #tpu.memory_space<semaphore_mem>>)
      %mul3A_154 = arith.constant 16 : i32
      %mul3A_155 = arith.muli %scan3A_19, %mul3A_154 : i32
      %add3A_156 = arith.constant 4 : i32
      %add3A_157 = arith.addi %mul3A_155, %add3A_156 : i32
      %slice3A_158 = vector.extract_strided_slice %get3A_23 {offsets = [4], sizes = [1], strides = [1]} : vector<16xi32> to vector<1xi32>
      %squeeze3A_159 = vector.extract %slice3A_158[0] : i32 from vector<1xi32>
      %dma_start3A_160 = arith.constant 0 : i32
      %dma_start3A_161 = tpu.memref_slice %arg9[%add3A_157, %dma_start3A_160] : memref<512x128xf32, #tpu.memory_space<vmem>> -> memref<1x64xf32, #tpu.memory_space<vmem>>
      %dma_start3A_162 = tpu.memref_squeeze %dma_start3A_161 : memref<1x64xf32, #tpu.memory_space<vmem>> -> memref<64xf32, #tpu.memory_space<vmem>>
      %dma_start3A_163 = arith.constant 0 : i32
      %dma_start3A_164 = tpu.memref_slice %arg4[%squeeze3A_159, %dma_start3A_163] : memref<1000000x64xf32, #tpu.memory_space<hbm>> -> memref<1x64xf32, #tpu.memory_space<hbm>>
      %dma_start3A_165 = tpu.memref_squeeze %dma_start3A_164 : memref<1x64xf32, #tpu.memory_space<hbm>> -> memref<64xf32, #tpu.memory_space<hbm>>
      %dma_start3A_166 = arith.constant 0 : i32
      %dma_start3A_167 = tpu.memref_slice %arg9[%add3A_157, %dma_start3A_166] : memref<512x128xf32, #tpu.memory_space<vmem>> -> memref<1x64xf32, #tpu.memory_space<vmem>>
      %dma_start3A_168 = tpu.memref_squeeze %dma_start3A_167 : memref<1x64xf32, #tpu.memory_space<vmem>> -> memref<64xf32, #tpu.memory_space<vmem>>
      %dma_start3A_169 = arith.constant 0 : i32
      %dma_start3A_170 = tpu.memref_slice %arg4[%squeeze3A_159, %dma_start3A_169] : memref<1000000x64xf32, #tpu.memory_space<hbm>> -> memref<1x64xf32, #tpu.memory_space<hbm>>
      %dma_start3A_171 = tpu.memref_squeeze %dma_start3A_170 : memref<1x64xf32, #tpu.memory_space<hbm>> -> memref<64xf32, #tpu.memory_space<hbm>>
      tpu.enqueue_dma source(%dma_start3A_171 : memref<64xf32, #tpu.memory_space<hbm>>) target(%dma_start3A_168 : memref<64xf32, #tpu.memory_space<vmem>>) target_semaphore(%arg10 : memref<!tpu.dma_semaphore, #tpu.memory_space<semaphore_mem>>)
      %slice3A_172 = vector.extract_strided_slice %get3A_28 {offsets = [4], sizes = [1], strides = [1]} : vector<16xi32> to vector<1xi32>
      %squeeze3A_173 = vector.extract %slice3A_172[0] : i32 from vector<1xi32>
      %dma_start3A_174 = arith.constant 64 : i32
      %dma_start3A_175 = tpu.memref_slice %arg9[%add3A_157, %dma_start3A_174] : memref<512x128xf32, #tpu.memory_space<vmem>> -> memref<1x64xf32, #tpu.memory_space<vmem>>
      %dma_start3A_176 = tpu.memref_squeeze %dma_start3A_175 : memref<1x64xf32, #tpu.memory_space<vmem>> -> memref<64xf32, #tpu.memory_space<vmem>>
      %dma_start3A_177 = arith.constant 0 : i32
      %dma_start3A_178 = tpu.memref_slice %arg5[%squeeze3A_173, %dma_start3A_177] : memref<1000000x64xf32, #tpu.memory_space<hbm>> -> memref<1x64xf32, #tpu.memory_space<hbm>>
      %dma_start3A_179 = tpu.memref_squeeze %dma_start3A_178 : memref<1x64xf32, #tpu.memory_space<hbm>> -> memref<64xf32, #tpu.memory_space<hbm>>
      %dma_start3A_180 = arith.constant 64 : i32
      %dma_start3A_181 = tpu.memref_slice %arg9[%add3A_157, %dma_start3A_180] : memref<512x128xf32, #tpu.memory_space<vmem>> -> memref<1x64xf32, #tpu.memory_space<vmem>>
      %dma_start3A_182 = tpu.memref_squeeze %dma_start3A_181 : memref<1x64xf32, #tpu.memory_space<vmem>> -> memref<64xf32, #tpu.memory_space<vmem>>
      %dma_start3A_183 = arith.constant 0 : i32
      %dma_start3A_184 = tpu.memref_slice %arg5[%squeeze3A_173, %dma_start3A_183] : memref<1000000x64xf32, #tpu.memory_space<hbm>> -> memref<1x64xf32, #tpu.memory_space<hbm>>
      %dma_start3A_185 = tpu.memref_squeeze %dma_start3A_184 : memref<1x64xf32, #tpu.memory_space<hbm>> -> memref<64xf32, #tpu.memory_space<hbm>>
      tpu.enqueue_dma source(%dma_start3A_185 : memref<64xf32, #tpu.memory_space<hbm>>) target(%dma_start3A_182 : memref<64xf32, #tpu.memory_space<vmem>>) target_semaphore(%arg10 : memref<!tpu.dma_semaphore, #tpu.memory_space<semaphore_mem>>)
      %mul3A_186 = arith.constant 16 : i32
      %mul3A_187 = arith.muli %scan3A_19, %mul3A_186 : i32
      %add3A_188 = arith.constant 5 : i32
      %add3A_189 = arith.addi %mul3A_187, %add3A_188 : i32
      %slice3A_190 = vector.extract_strided_slice %get3A_23 {offsets = [5], sizes = [1], strides = [1]} : vector<16xi32> to vector<1xi32>
      %squeeze3A_191 = vector.extract %slice3A_190[0] : i32 from vector<1xi32>
      %dma_start3A_192 = arith.constant 0 : i32
      %dma_start3A_193 = tpu.memref_slice %arg9[%add3A_189, %dma_start3A_192] : memref<512x128xf32, #tpu.memory_space<vmem>> -> memref<1x64xf32, #tpu.memory_space<vmem>>
      %dma_start3A_194 = tpu.memref_squeeze %dma_start3A_193 : memref<1x64xf32, #tpu.memory_space<vmem>> -> memref<64xf32, #tpu.memory_space<vmem>>
      %dma_start3A_195 = arith.constant 0 : i32
      %dma_start3A_196 = tpu.memref_slice %arg4[%squeeze3A_191, %dma_start3A_195] : memref<1000000x64xf32, #tpu.memory_space<hbm>> -> memref<1x64xf32, #tpu.memory_space<hbm>>
      %dma_start3A_197 = tpu.memref_squeeze %dma_start3A_196 : memref<1x64xf32, #tpu.memory_space<hbm>> -> memref<64xf32, #tpu.memory_space<hbm>>
      %dma_start3A_198 = arith.constant 0 : i32
      %dma_start3A_199 = tpu.memref_slice %arg9[%add3A_189, %dma_start3A_198] : memref<512x128xf32, #tpu.memory_space<vmem>> -> memref<1x64xf32, #tpu.memory_space<vmem>>
      %dma_start3A_200 = tpu.memref_squeeze %dma_start3A_199 : memref<1x64xf32, #tpu.memory_space<vmem>> -> memref<64xf32, #tpu.memory_space<vmem>>
      %dma_start3A_201 = arith.constant 0 : i32
      %dma_start3A_202 = tpu.memref_slice %arg4[%squeeze3A_191, %dma_start3A_201] : memref<1000000x64xf32, #tpu.memory_space<hbm>> -> memref<1x64xf32, #tpu.memory_space<hbm>>
      %dma_start3A_203 = tpu.memref_squeeze %dma_start3A_202 : memref<1x64xf32, #tpu.memory_space<hbm>> -> memref<64xf32, #tpu.memory_space<hbm>>
      tpu.enqueue_dma source(%dma_start3A_203 : memref<64xf32, #tpu.memory_space<hbm>>) target(%dma_start3A_200 : memref<64xf32, #tpu.memory_space<vmem>>) target_semaphore(%arg10 : memref<!tpu.dma_semaphore, #tpu.memory_space<semaphore_mem>>)
      %slice3A_204 = vector.extract_strided_slice %get3A_28 {offsets = [5], sizes = [1], strides = [1]} : vector<16xi32> to vector<1xi32>
      %squeeze3A_205 = vector.extract %slice3A_204[0] : i32 from vector<1xi32>
      %dma_start3A_206 = arith.constant 64 : i32
      %dma_start3A_207 = tpu.memref_slice %arg9[%add3A_189, %dma_start3A_206] : memref<512x128xf32, #tpu.memory_space<vmem>> -> memref<1x64xf32, #tpu.memory_space<vmem>>
      %dma_start3A_208 = tpu.memref_squeeze %dma_start3A_207 : memref<1x64xf32, #tpu.memory_space<vmem>> -> memref<64xf32, #tpu.memory_space<vmem>>
      %dma_start3A_209 = arith.constant 0 : i32
      %dma_start3A_210 = tpu.memref_slice %arg5[%squeeze3A_205, %dma_start3A_209] : memref<1000000x64xf32, #tpu.memory_space<hbm>> -> memref<1x64xf32, #tpu.memory_space<hbm>>
      %dma_start3A_211 = tpu.memref_squeeze %dma_start3A_210 : memref<1x64xf32, #tpu.memory_space<hbm>> -> memref<64xf32, #tpu.memory_space<hbm>>
      %dma_start3A_212 = arith.constant 64 : i32
      %dma_start3A_213 = tpu.memref_slice %arg9[%add3A_189, %dma_start3A_212] : memref<512x128xf32, #tpu.memory_space<vmem>> -> memref<1x64xf32, #tpu.memory_space<vmem>>
      %dma_start3A_214 = tpu.memref_squeeze %dma_start3A_213 : memref<1x64xf32, #tpu.memory_space<vmem>> -> memref<64xf32, #tpu.memory_space<vmem>>
      %dma_start3A_215 = arith.constant 0 : i32
      %dma_start3A_216 = tpu.memref_slice %arg5[%squeeze3A_205, %dma_start3A_215] : memref<1000000x64xf32, #tpu.memory_space<hbm>> -> memref<1x64xf32, #tpu.memory_space<hbm>>
      %dma_start3A_217 = tpu.memref_squeeze %dma_start3A_216 : memref<1x64xf32, #tpu.memory_space<hbm>> -> memref<64xf32, #tpu.memory_space<hbm>>
      tpu.enqueue_dma source(%dma_start3A_217 : memref<64xf32, #tpu.memory_space<hbm>>) target(%dma_start3A_214 : memref<64xf32, #tpu.memory_space<vmem>>) target_semaphore(%arg10 : memref<!tpu.dma_semaphore, #tpu.memory_space<semaphore_mem>>)
      %mul3A_218 = arith.constant 16 : i32
      %mul3A_219 = arith.muli %scan3A_19, %mul3A_218 : i32
      %add3A_220 = arith.constant 6 : i32
      %add3A_221 = arith.addi %mul3A_219, %add3A_220 : i32
      %slice3A_222 = vector.extract_strided_slice %get3A_23 {offsets = [6], sizes = [1], strides = [1]} : vector<16xi32> to vector<1xi32>
      %squeeze3A_223 = vector.extract %slice3A_222[0] : i32 from vector<1xi32>
      %dma_start3A_224 = arith.constant 0 : i32
      %dma_start3A_225 = tpu.memref_slice %arg9[%add3A_221, %dma_start3A_224] : memref<512x128xf32, #tpu.memory_space<vmem>> -> memref<1x64xf32, #tpu.memory_space<vmem>>
      %dma_start3A_226 = tpu.memref_squeeze %dma_start3A_225 : memref<1x64xf32, #tpu.memory_space<vmem>> -> memref<64xf32, #tpu.memory_space<vmem>>
      %dma_start3A_227 = arith.constant 0 : i32
      %dma_start3A_228 = tpu.memref_slice %arg4[%squeeze3A_223, %dma_start3A_227] : memref<1000000x64xf32, #tpu.memory_space<hbm>> -> memref<1x64xf32, #tpu.memory_space<hbm>>
      %dma_start3A_229 = tpu.memref_squeeze %dma_start3A_228 : memref<1x64xf32, #tpu.memory_space<hbm>> -> memref<64xf32, #tpu.memory_space<hbm>>
      %dma_start3A_230 = arith.constant 0 : i32
      %dma_start3A_231 = tpu.memref_slice %arg9[%add3A_221, %dma_start3A_230] : memref<512x128xf32, #tpu.memory_space<vmem>> -> memref<1x64xf32, #tpu.memory_space<vmem>>
      %dma_start3A_232 = tpu.memref_squeeze %dma_start3A_231 : memref<1x64xf32, #tpu.memory_space<vmem>> -> memref<64xf32, #tpu.memory_space<vmem>>
      %dma_start3A_233 = arith.constant 0 : i32
      %dma_start3A_234 = tpu.memref_slice %arg4[%squeeze3A_223, %dma_start3A_233] : memref<1000000x64xf32, #tpu.memory_space<hbm>> -> memref<1x64xf32, #tpu.memory_space<hbm>>
      %dma_start3A_235 = tpu.memref_squeeze %dma_start3A_234 : memref<1x64xf32, #tpu.memory_space<hbm>> -> memref<64xf32, #tpu.memory_space<hbm>>
      tpu.enqueue_dma source(%dma_start3A_235 : memref<64xf32, #tpu.memory_space<hbm>>) target(%dma_start3A_232 : memref<64xf32, #tpu.memory_space<vmem>>) target_semaphore(%arg10 : memref<!tpu.dma_semaphore, #tpu.memory_space<semaphore_mem>>)
      %slice3A_236 = vector.extract_strided_slice %get3A_28 {offsets = [6], sizes = [1], strides = [1]} : vector<16xi32> to vector<1xi32>
      %squeeze3A_237 = vector.extract %slice3A_236[0] : i32 from vector<1xi32>
      %dma_start3A_238 = arith.constant 64 : i32
      %dma_start3A_239 = tpu.memref_slice %arg9[%add3A_221, %dma_start3A_238] : memref<512x128xf32, #tpu.memory_space<vmem>> -> memref<1x64xf32, #tpu.memory_space<vmem>>
      %dma_start3A_240 = tpu.memref_squeeze %dma_start3A_239 : memref<1x64xf32, #tpu.memory_space<vmem>> -> memref<64xf32, #tpu.memory_space<vmem>>
      %dma_start3A_241 = arith.constant 0 : i32
      %dma_start3A_242 = tpu.memref_slice %arg5[%squeeze3A_237, %dma_start3A_241] : memref<1000000x64xf32, #tpu.memory_space<hbm>> -> memref<1x64xf32, #tpu.memory_space<hbm>>
      %dma_start3A_243 = tpu.memref_squeeze %dma_start3A_242 : memref<1x64xf32, #tpu.memory_space<hbm>> -> memref<64xf32, #tpu.memory_space<hbm>>
      %dma_start3A_244 = arith.constant 64 : i32
      %dma_start3A_245 = tpu.memref_slice %arg9[%add3A_221, %dma_start3A_244] : memref<512x128xf32, #tpu.memory_space<vmem>> -> memref<1x64xf32, #tpu.memory_space<vmem>>
      %dma_start3A_246 = tpu.memref_squeeze %dma_start3A_245 : memref<1x64xf32, #tpu.memory_space<vmem>> -> memref<64xf32, #tpu.memory_space<vmem>>
      %dma_start3A_247 = arith.constant 0 : i32
      %dma_start3A_248 = tpu.memref_slice %arg5[%squeeze3A_237, %dma_start3A_247] : memref<1000000x64xf32, #tpu.memory_space<hbm>> -> memref<1x64xf32, #tpu.memory_space<hbm>>
      %dma_start3A_249 = tpu.memref_squeeze %dma_start3A_248 : memref<1x64xf32, #tpu.memory_space<hbm>> -> memref<64xf32, #tpu.memory_space<hbm>>
      tpu.enqueue_dma source(%dma_start3A_249 : memref<64xf32, #tpu.memory_space<hbm>>) target(%dma_start3A_246 : memref<64xf32, #tpu.memory_space<vmem>>) target_semaphore(%arg10 : memref<!tpu.dma_semaphore, #tpu.memory_space<semaphore_mem>>)
      %mul3A_250 = arith.constant 16 : i32
      %mul3A_251 = arith.muli %scan3A_19, %mul3A_250 : i32
      %add3A_252 = arith.constant 7 : i32
      %add3A_253 = arith.addi %mul3A_251, %add3A_252 : i32
      %slice3A_254 = vector.extract_strided_slice %get3A_23 {offsets = [7], sizes = [1], strides = [1]} : vector<16xi32> to vector<1xi32>
      %squeeze3A_255 = vector.extract %slice3A_254[0] : i32 from vector<1xi32>
      %dma_start3A_256 = arith.constant 0 : i32
      %dma_start3A_257 = tpu.memref_slice %arg9[%add3A_253, %dma_start3A_256] : memref<512x128xf32, #tpu.memory_space<vmem>> -> memref<1x64xf32, #tpu.memory_space<vmem>>
      %dma_start3A_258 = tpu.memref_squeeze %dma_start3A_257 : memref<1x64xf32, #tpu.memory_space<vmem>> -> memref<64xf32, #tpu.memory_space<vmem>>
      %dma_start3A_259 = arith.constant 0 : i32
      %dma_start3A_260 = tpu.memref_slice %arg4[%squeeze3A_255, %dma_start3A_259] : memref<1000000x64xf32, #tpu.memory_space<hbm>> -> memref<1x64xf32, #tpu.memory_space<hbm>>
      %dma_start3A_261 = tpu.memref_squeeze %dma_start3A_260 : memref<1x64xf32, #tpu.memory_space<hbm>> -> memref<64xf32, #tpu.memory_space<hbm>>
      %dma_start3A_262 = arith.constant 0 : i32
      %dma_start3A_263 = tpu.memref_slice %arg9[%add3A_253, %dma_start3A_262] : memref<512x128xf32, #tpu.memory_space<vmem>> -> memref<1x64xf32, #tpu.memory_space<vmem>>
      %dma_start3A_264 = tpu.memref_squeeze %dma_start3A_263 : memref<1x64xf32, #tpu.memory_space<vmem>> -> memref<64xf32, #tpu.memory_space<vmem>>
      %dma_start3A_265 = arith.constant 0 : i32
      %dma_start3A_266 = tpu.memref_slice %arg4[%squeeze3A_255, %dma_start3A_265] : memref<1000000x64xf32, #tpu.memory_space<hbm>> -> memref<1x64xf32, #tpu.memory_space<hbm>>
      %dma_start3A_267 = tpu.memref_squeeze %dma_start3A_266 : memref<1x64xf32, #tpu.memory_space<hbm>> -> memref<64xf32, #tpu.memory_space<hbm>>
      tpu.enqueue_dma source(%dma_start3A_267 : memref<64xf32, #tpu.memory_space<hbm>>) target(%dma_start3A_264 : memref<64xf32, #tpu.memory_space<vmem>>) target_semaphore(%arg10 : memref<!tpu.dma_semaphore, #tpu.memory_space<semaphore_mem>>)
      %slice3A_268 = vector.extract_strided_slice %get3A_28 {offsets = [7], sizes = [1], strides = [1]} : vector<16xi32> to vector<1xi32>
      %squeeze3A_269 = vector.extract %slice3A_268[0] : i32 from vector<1xi32>
      %dma_start3A_270 = arith.constant 64 : i32
      %dma_start3A_271 = tpu.memref_slice %arg9[%add3A_253, %dma_start3A_270] : memref<512x128xf32, #tpu.memory_space<vmem>> -> memref<1x64xf32, #tpu.memory_space<vmem>>
      %dma_start3A_272 = tpu.memref_squeeze %dma_start3A_271 : memref<1x64xf32, #tpu.memory_space<vmem>> -> memref<64xf32, #tpu.memory_space<vmem>>
      %dma_start3A_273 = arith.constant 0 : i32
      %dma_start3A_274 = tpu.memref_slice %arg5[%squeeze3A_269, %dma_start3A_273] : memref<1000000x64xf32, #tpu.memory_space<hbm>> -> memref<1x64xf32, #tpu.memory_space<hbm>>
      %dma_start3A_275 = tpu.memref_squeeze %dma_start3A_274 : memref<1x64xf32, #tpu.memory_space<hbm>> -> memref<64xf32, #tpu.memory_space<hbm>>
      %dma_start3A_276 = arith.constant 64 : i32
      %dma_start3A_277 = tpu.memref_slice %arg9[%add3A_253, %dma_start3A_276] : memref<512x128xf32, #tpu.memory_space<vmem>> -> memref<1x64xf32, #tpu.memory_space<vmem>>
      %dma_start3A_278 = tpu.memref_squeeze %dma_start3A_277 : memref<1x64xf32, #tpu.memory_space<vmem>> -> memref<64xf32, #tpu.memory_space<vmem>>
      %dma_start3A_279 = arith.constant 0 : i32
      %dma_start3A_280 = tpu.memref_slice %arg5[%squeeze3A_269, %dma_start3A_279] : memref<1000000x64xf32, #tpu.memory_space<hbm>> -> memref<1x64xf32, #tpu.memory_space<hbm>>
      %dma_start3A_281 = tpu.memref_squeeze %dma_start3A_280 : memref<1x64xf32, #tpu.memory_space<hbm>> -> memref<64xf32, #tpu.memory_space<hbm>>
      tpu.enqueue_dma source(%dma_start3A_281 : memref<64xf32, #tpu.memory_space<hbm>>) target(%dma_start3A_278 : memref<64xf32, #tpu.memory_space<vmem>>) target_semaphore(%arg10 : memref<!tpu.dma_semaphore, #tpu.memory_space<semaphore_mem>>)
      %mul3A_282 = arith.constant 16 : i32
      %mul3A_283 = arith.muli %scan3A_19, %mul3A_282 : i32
      %add3A_284 = arith.constant 8 : i32
      %add3A_285 = arith.addi %mul3A_283, %add3A_284 : i32
      %slice3A_286 = vector.extract_strided_slice %get3A_23 {offsets = [8], sizes = [1], strides = [1]} : vector<16xi32> to vector<1xi32>
      %squeeze3A_287 = vector.extract %slice3A_286[0] : i32 from vector<1xi32>
      %dma_start3A_288 = arith.constant 0 : i32
      %dma_start3A_289 = tpu.memref_slice %arg9[%add3A_285, %dma_start3A_288] : memref<512x128xf32, #tpu.memory_space<vmem>> -> memref<1x64xf32, #tpu.memory_space<vmem>>
      %dma_start3A_290 = tpu.memref_squeeze %dma_start3A_289 : memref<1x64xf32, #tpu.memory_space<vmem>> -> memref<64xf32, #tpu.memory_space<vmem>>
      %dma_start3A_291 = arith.constant 0 : i32
      %dma_start3A_292 = tpu.memref_slice %arg4[%squeeze3A_287, %dma_start3A_291] : memref<1000000x64xf32, #tpu.memory_space<hbm>> -> memref<1x64xf32, #tpu.memory_space<hbm>>
      %dma_start3A_293 = tpu.memref_squeeze %dma_start3A_292 : memref<1x64xf32, #tpu.memory_space<hbm>> -> memref<64xf32, #tpu.memory_space<hbm>>
      %dma_start3A_294 = arith.constant 0 : i32
      %dma_start3A_295 = tpu.memref_slice %arg9[%add3A_285, %dma_start3A_294] : memref<512x128xf32, #tpu.memory_space<vmem>> -> memref<1x64xf32, #tpu.memory_space<vmem>>
      %dma_start3A_296 = tpu.memref_squeeze %dma_start3A_295 : memref<1x64xf32, #tpu.memory_space<vmem>> -> memref<64xf32, #tpu.memory_space<vmem>>
      %dma_start3A_297 = arith.constant 0 : i32
      %dma_start3A_298 = tpu.memref_slice %arg4[%squeeze3A_287, %dma_start3A_297] : memref<1000000x64xf32, #tpu.memory_space<hbm>> -> memref<1x64xf32, #tpu.memory_space<hbm>>
      %dma_start3A_299 = tpu.memref_squeeze %dma_start3A_298 : memref<1x64xf32, #tpu.memory_space<hbm>> -> memref<64xf32, #tpu.memory_space<hbm>>
      tpu.enqueue_dma source(%dma_start3A_299 : memref<64xf32, #tpu.memory_space<hbm>>) target(%dma_start3A_296 : memref<64xf32, #tpu.memory_space<vmem>>) target_semaphore(%arg10 : memref<!tpu.dma_semaphore, #tpu.memory_space<semaphore_mem>>)
      %slice3A_300 = vector.extract_strided_slice %get3A_28 {offsets = [8], sizes = [1], strides = [1]} : vector<16xi32> to vector<1xi32>
      %squeeze3A_301 = vector.extract %slice3A_300[0] : i32 from vector<1xi32>
      %dma_start3A_302 = arith.constant 64 : i32
      %dma_start3A_303 = tpu.memref_slice %arg9[%add3A_285, %dma_start3A_302] : memref<512x128xf32, #tpu.memory_space<vmem>> -> memref<1x64xf32, #tpu.memory_space<vmem>>
      %dma_start3A_304 = tpu.memref_squeeze %dma_start3A_303 : memref<1x64xf32, #tpu.memory_space<vmem>> -> memref<64xf32, #tpu.memory_space<vmem>>
      %dma_start3A_305 = arith.constant 0 : i32
      %dma_start3A_306 = tpu.memref_slice %arg5[%squeeze3A_301, %dma_start3A_305] : memref<1000000x64xf32, #tpu.memory_space<hbm>> -> memref<1x64xf32, #tpu.memory_space<hbm>>
      %dma_start3A_307 = tpu.memref_squeeze %dma_start3A_306 : memref<1x64xf32, #tpu.memory_space<hbm>> -> memref<64xf32, #tpu.memory_space<hbm>>
      %dma_start3A_308 = arith.constant 64 : i32
      %dma_start3A_309 = tpu.memref_slice %arg9[%add3A_285, %dma_start3A_308] : memref<512x128xf32, #tpu.memory_space<vmem>> -> memref<1x64xf32, #tpu.memory_space<vmem>>
      %dma_start3A_310 = tpu.memref_squeeze %dma_start3A_309 : memref<1x64xf32, #tpu.memory_space<vmem>> -> memref<64xf32, #tpu.memory_space<vmem>>
      %dma_start3A_311 = arith.constant 0 : i32
      %dma_start3A_312 = tpu.memref_slice %arg5[%squeeze3A_301, %dma_start3A_311] : memref<1000000x64xf32, #tpu.memory_space<hbm>> -> memref<1x64xf32, #tpu.memory_space<hbm>>
      %dma_start3A_313 = tpu.memref_squeeze %dma_start3A_312 : memref<1x64xf32, #tpu.memory_space<hbm>> -> memref<64xf32, #tpu.memory_space<hbm>>
      tpu.enqueue_dma source(%dma_start3A_313 : memref<64xf32, #tpu.memory_space<hbm>>) target(%dma_start3A_310 : memref<64xf32, #tpu.memory_space<vmem>>) target_semaphore(%arg10 : memref<!tpu.dma_semaphore, #tpu.memory_space<semaphore_mem>>)
      %mul3A_314 = arith.constant 16 : i32
      %mul3A_315 = arith.muli %scan3A_19, %mul3A_314 : i32
      %add3A_316 = arith.constant 9 : i32
      %add3A_317 = arith.addi %mul3A_315, %add3A_316 : i32
      %slice3A_318 = vector.extract_strided_slice %get3A_23 {offsets = [9], sizes = [1], strides = [1]} : vector<16xi32> to vector<1xi32>
      %squeeze3A_319 = vector.extract %slice3A_318[0] : i32 from vector<1xi32>
      %dma_start3A_320 = arith.constant 0 : i32
      %dma_start3A_321 = tpu.memref_slice %arg9[%add3A_317, %dma_start3A_320] : memref<512x128xf32, #tpu.memory_space<vmem>> -> memref<1x64xf32, #tpu.memory_space<vmem>>
      %dma_start3A_322 = tpu.memref_squeeze %dma_start3A_321 : memref<1x64xf32, #tpu.memory_space<vmem>> -> memref<64xf32, #tpu.memory_space<vmem>>
      %dma_start3A_323 = arith.constant 0 : i32
      %dma_start3A_324 = tpu.memref_slice %arg4[%squeeze3A_319, %dma_start3A_323] : memref<1000000x64xf32, #tpu.memory_space<hbm>> -> memref<1x64xf32, #tpu.memory_space<hbm>>
      %dma_start3A_325 = tpu.memref_squeeze %dma_start3A_324 : memref<1x64xf32, #tpu.memory_space<hbm>> -> memref<64xf32, #tpu.memory_space<hbm>>
      %dma_start3A_326 = arith.constant 0 : i32
      %dma_start3A_327 = tpu.memref_slice %arg9[%add3A_317, %dma_start3A_326] : memref<512x128xf32, #tpu.memory_space<vmem>> -> memref<1x64xf32, #tpu.memory_space<vmem>>
      %dma_start3A_328 = tpu.memref_squeeze %dma_start3A_327 : memref<1x64xf32, #tpu.memory_space<vmem>> -> memref<64xf32, #tpu.memory_space<vmem>>
      %dma_start3A_329 = arith.constant 0 : i32
      %dma_start3A_330 = tpu.memref_slice %arg4[%squeeze3A_319, %dma_start3A_329] : memref<1000000x64xf32, #tpu.memory_space<hbm>> -> memref<1x64xf32, #tpu.memory_space<hbm>>
      %dma_start3A_331 = tpu.memref_squeeze %dma_start3A_330 : memref<1x64xf32, #tpu.memory_space<hbm>> -> memref<64xf32, #tpu.memory_space<hbm>>
      tpu.enqueue_dma source(%dma_start3A_331 : memref<64xf32, #tpu.memory_space<hbm>>) target(%dma_start3A_328 : memref<64xf32, #tpu.memory_space<vmem>>) target_semaphore(%arg10 : memref<!tpu.dma_semaphore, #tpu.memory_space<semaphore_mem>>)
      %slice3A_332 = vector.extract_strided_slice %get3A_28 {offsets = [9], sizes = [1], strides = [1]} : vector<16xi32> to vector<1xi32>
      %squeeze3A_333 = vector.extract %slice3A_332[0] : i32 from vector<1xi32>
      %dma_start3A_334 = arith.constant 64 : i32
      %dma_start3A_335 = tpu.memref_slice %arg9[%add3A_317, %dma_start3A_334] : memref<512x128xf32, #tpu.memory_space<vmem>> -> memref<1x64xf32, #tpu.memory_space<vmem>>
      %dma_start3A_336 = tpu.memref_squeeze %dma_start3A_335 : memref<1x64xf32, #tpu.memory_space<vmem>> -> memref<64xf32, #tpu.memory_space<vmem>>
      %dma_start3A_337 = arith.constant 0 : i32
      %dma_start3A_338 = tpu.memref_slice %arg5[%squeeze3A_333, %dma_start3A_337] : memref<1000000x64xf32, #tpu.memory_space<hbm>> -> memref<1x64xf32, #tpu.memory_space<hbm>>
      %dma_start3A_339 = tpu.memref_squeeze %dma_start3A_338 : memref<1x64xf32, #tpu.memory_space<hbm>> -> memref<64xf32, #tpu.memory_space<hbm>>
      %dma_start3A_340 = arith.constant 64 : i32
      %dma_start3A_341 = tpu.memref_slice %arg9[%add3A_317, %dma_start3A_340] : memref<512x128xf32, #tpu.memory_space<vmem>> -> memref<1x64xf32, #tpu.memory_space<vmem>>
      %dma_start3A_342 = tpu.memref_squeeze %dma_start3A_341 : memref<1x64xf32, #tpu.memory_space<vmem>> -> memref<64xf32, #tpu.memory_space<vmem>>
      %dma_start3A_343 = arith.constant 0 : i32
      %dma_start3A_344 = tpu.memref_slice %arg5[%squeeze3A_333, %dma_start3A_343] : memref<1000000x64xf32, #tpu.memory_space<hbm>> -> memref<1x64xf32, #tpu.memory_space<hbm>>
      %dma_start3A_345 = tpu.memref_squeeze %dma_start3A_344 : memref<1x64xf32, #tpu.memory_space<hbm>> -> memref<64xf32, #tpu.memory_space<hbm>>
      tpu.enqueue_dma source(%dma_start3A_345 : memref<64xf32, #tpu.memory_space<hbm>>) target(%dma_start3A_342 : memref<64xf32, #tpu.memory_space<vmem>>) target_semaphore(%arg10 : memref<!tpu.dma_semaphore, #tpu.memory_space<semaphore_mem>>)
      %mul3A_346 = arith.constant 16 : i32
      %mul3A_347 = arith.muli %scan3A_19, %mul3A_346 : i32
      %add3A_348 = arith.constant 10 : i32
      %add3A_349 = arith.addi %mul3A_347, %add3A_348 : i32
      %slice3A_350 = vector.extract_strided_slice %get3A_23 {offsets = [10], sizes = [1], strides = [1]} : vector<16xi32> to vector<1xi32>
      %squeeze3A_351 = vector.extract %slice3A_350[0] : i32 from vector<1xi32>
      %dma_start3A_352 = arith.constant 0 : i32
      %dma_start3A_353 = tpu.memref_slice %arg9[%add3A_349, %dma_start3A_352] : memref<512x128xf32, #tpu.memory_space<vmem>> -> memref<1x64xf32, #tpu.memory_space<vmem>>
      %dma_start3A_354 = tpu.memref_squeeze %dma_start3A_353 : memref<1x64xf32, #tpu.memory_space<vmem>> -> memref<64xf32, #tpu.memory_space<vmem>>
      %dma_start3A_355 = arith.constant 0 : i32
      %dma_start3A_356 = tpu.memref_slice %arg4[%squeeze3A_351, %dma_start3A_355] : memref<1000000x64xf32, #tpu.memory_space<hbm>> -> memref<1x64xf32, #tpu.memory_space<hbm>>
      %dma_start3A_357 = tpu.memref_squeeze %dma_start3A_356 : memref<1x64xf32, #tpu.memory_space<hbm>> -> memref<64xf32, #tpu.memory_space<hbm>>
      %dma_start3A_358 = arith.constant 0 : i32
      %dma_start3A_359 = tpu.memref_slice %arg9[%add3A_349, %dma_start3A_358] : memref<512x128xf32, #tpu.memory_space<vmem>> -> memref<1x64xf32, #tpu.memory_space<vmem>>
      %dma_start3A_360 = tpu.memref_squeeze %dma_start3A_359 : memref<1x64xf32, #tpu.memory_space<vmem>> -> memref<64xf32, #tpu.memory_space<vmem>>
      %dma_start3A_361 = arith.constant 0 : i32
      %dma_start3A_362 = tpu.memref_slice %arg4[%squeeze3A_351, %dma_start3A_361] : memref<1000000x64xf32, #tpu.memory_space<hbm>> -> memref<1x64xf32, #tpu.memory_space<hbm>>
      %dma_start3A_363 = tpu.memref_squeeze %dma_start3A_362 : memref<1x64xf32, #tpu.memory_space<hbm>> -> memref<64xf32, #tpu.memory_space<hbm>>
      tpu.enqueue_dma source(%dma_start3A_363 : memref<64xf32, #tpu.memory_space<hbm>>) target(%dma_start3A_360 : memref<64xf32, #tpu.memory_space<vmem>>) target_semaphore(%arg10 : memref<!tpu.dma_semaphore, #tpu.memory_space<semaphore_mem>>)
      %slice3A_364 = vector.extract_strided_slice %get3A_28 {offsets = [10], sizes = [1], strides = [1]} : vector<16xi32> to vector<1xi32>
      %squeeze3A_365 = vector.extract %slice3A_364[0] : i32 from vector<1xi32>
      %dma_start3A_366 = arith.constant 64 : i32
      %dma_start3A_367 = tpu.memref_slice %arg9[%add3A_349, %dma_start3A_366] : memref<512x128xf32, #tpu.memory_space<vmem>> -> memref<1x64xf32, #tpu.memory_space<vmem>>
      %dma_start3A_368 = tpu.memref_squeeze %dma_start3A_367 : memref<1x64xf32, #tpu.memory_space<vmem>> -> memref<64xf32, #tpu.memory_space<vmem>>
      %dma_start3A_369 = arith.constant 0 : i32
      %dma_start3A_370 = tpu.memref_slice %arg5[%squeeze3A_365, %dma_start3A_369] : memref<1000000x64xf32, #tpu.memory_space<hbm>> -> memref<1x64xf32, #tpu.memory_space<hbm>>
      %dma_start3A_371 = tpu.memref_squeeze %dma_start3A_370 : memref<1x64xf32, #tpu.memory_space<hbm>> -> memref<64xf32, #tpu.memory_space<hbm>>
      %dma_start3A_372 = arith.constant 64 : i32
      %dma_start3A_373 = tpu.memref_slice %arg9[%add3A_349, %dma_start3A_372] : memref<512x128xf32, #tpu.memory_space<vmem>> -> memref<1x64xf32, #tpu.memory_space<vmem>>
      %dma_start3A_374 = tpu.memref_squeeze %dma_start3A_373 : memref<1x64xf32, #tpu.memory_space<vmem>> -> memref<64xf32, #tpu.memory_space<vmem>>
      %dma_start3A_375 = arith.constant 0 : i32
      %dma_start3A_376 = tpu.memref_slice %arg5[%squeeze3A_365, %dma_start3A_375] : memref<1000000x64xf32, #tpu.memory_space<hbm>> -> memref<1x64xf32, #tpu.memory_space<hbm>>
      %dma_start3A_377 = tpu.memref_squeeze %dma_start3A_376 : memref<1x64xf32, #tpu.memory_space<hbm>> -> memref<64xf32, #tpu.memory_space<hbm>>
      tpu.enqueue_dma source(%dma_start3A_377 : memref<64xf32, #tpu.memory_space<hbm>>) target(%dma_start3A_374 : memref<64xf32, #tpu.memory_space<vmem>>) target_semaphore(%arg10 : memref<!tpu.dma_semaphore, #tpu.memory_space<semaphore_mem>>)
      %mul3A_378 = arith.constant 16 : i32
      %mul3A_379 = arith.muli %scan3A_19, %mul3A_378 : i32
      %add3A_380 = arith.constant 11 : i32
      %add3A_381 = arith.addi %mul3A_379, %add3A_380 : i32
      %slice3A_382 = vector.extract_strided_slice %get3A_23 {offsets = [11], sizes = [1], strides = [1]} : vector<16xi32> to vector<1xi32>
      %squeeze3A_383 = vector.extract %slice3A_382[0] : i32 from vector<1xi32>
      %dma_start3A_384 = arith.constant 0 : i32
      %dma_start3A_385 = tpu.memref_slice %arg9[%add3A_381, %dma_start3A_384] : memref<512x128xf32, #tpu.memory_space<vmem>> -> memref<1x64xf32, #tpu.memory_space<vmem>>
      %dma_start3A_386 = tpu.memref_squeeze %dma_start3A_385 : memref<1x64xf32, #tpu.memory_space<vmem>> -> memref<64xf32, #tpu.memory_space<vmem>>
      %dma_start3A_387 = arith.constant 0 : i32
      %dma_start3A_388 = tpu.memref_slice %arg4[%squeeze3A_383, %dma_start3A_387] : memref<1000000x64xf32, #tpu.memory_space<hbm>> -> memref<1x64xf32, #tpu.memory_space<hbm>>
      %dma_start3A_389 = tpu.memref_squeeze %dma_start3A_388 : memref<1x64xf32, #tpu.memory_space<hbm>> -> memref<64xf32, #tpu.memory_space<hbm>>
      %dma_start3A_390 = arith.constant 0 : i32
      %dma_start3A_391 = tpu.memref_slice %arg9[%add3A_381, %dma_start3A_390] : memref<512x128xf32, #tpu.memory_space<vmem>> -> memref<1x64xf32, #tpu.memory_space<vmem>>
      %dma_start3A_392 = tpu.memref_squeeze %dma_start3A_391 : memref<1x64xf32, #tpu.memory_space<vmem>> -> memref<64xf32, #tpu.memory_space<vmem>>
      %dma_start3A_393 = arith.constant 0 : i32
      %dma_start3A_394 = tpu.memref_slice %arg4[%squeeze3A_383, %dma_start3A_393] : memref<1000000x64xf32, #tpu.memory_space<hbm>> -> memref<1x64xf32, #tpu.memory_space<hbm>>
      %dma_start3A_395 = tpu.memref_squeeze %dma_start3A_394 : memref<1x64xf32, #tpu.memory_space<hbm>> -> memref<64xf32, #tpu.memory_space<hbm>>
      tpu.enqueue_dma source(%dma_start3A_395 : memref<64xf32, #tpu.memory_space<hbm>>) target(%dma_start3A_392 : memref<64xf32, #tpu.memory_space<vmem>>) target_semaphore(%arg10 : memref<!tpu.dma_semaphore, #tpu.memory_space<semaphore_mem>>)
      %slice3A_396 = vector.extract_strided_slice %get3A_28 {offsets = [11], sizes = [1], strides = [1]} : vector<16xi32> to vector<1xi32>
      %squeeze3A_397 = vector.extract %slice3A_396[0] : i32 from vector<1xi32>
      %dma_start3A_398 = arith.constant 64 : i32
      %dma_start3A_399 = tpu.memref_slice %arg9[%add3A_381, %dma_start3A_398] : memref<512x128xf32, #tpu.memory_space<vmem>> -> memref<1x64xf32, #tpu.memory_space<vmem>>
      %dma_start3A_400 = tpu.memref_squeeze %dma_start3A_399 : memref<1x64xf32, #tpu.memory_space<vmem>> -> memref<64xf32, #tpu.memory_space<vmem>>
      %dma_start3A_401 = arith.constant 0 : i32
      %dma_start3A_402 = tpu.memref_slice %arg5[%squeeze3A_397, %dma_start3A_401] : memref<1000000x64xf32, #tpu.memory_space<hbm>> -> memref<1x64xf32, #tpu.memory_space<hbm>>
      %dma_start3A_403 = tpu.memref_squeeze %dma_start3A_402 : memref<1x64xf32, #tpu.memory_space<hbm>> -> memref<64xf32, #tpu.memory_space<hbm>>
      %dma_start3A_404 = arith.constant 64 : i32
      %dma_start3A_405 = tpu.memref_slice %arg9[%add3A_381, %dma_start3A_404] : memref<512x128xf32, #tpu.memory_space<vmem>> -> memref<1x64xf32, #tpu.memory_space<vmem>>
      %dma_start3A_406 = tpu.memref_squeeze %dma_start3A_405 : memref<1x64xf32, #tpu.memory_space<vmem>> -> memref<64xf32, #tpu.memory_space<vmem>>
      %dma_start3A_407 = arith.constant 0 : i32
      %dma_start3A_408 = tpu.memref_slice %arg5[%squeeze3A_397, %dma_start3A_407] : memref<1000000x64xf32, #tpu.memory_space<hbm>> -> memref<1x64xf32, #tpu.memory_space<hbm>>
      %dma_start3A_409 = tpu.memref_squeeze %dma_start3A_408 : memref<1x64xf32, #tpu.memory_space<hbm>> -> memref<64xf32, #tpu.memory_space<hbm>>
      tpu.enqueue_dma source(%dma_start3A_409 : memref<64xf32, #tpu.memory_space<hbm>>) target(%dma_start3A_406 : memref<64xf32, #tpu.memory_space<vmem>>) target_semaphore(%arg10 : memref<!tpu.dma_semaphore, #tpu.memory_space<semaphore_mem>>)
      %mul3A_410 = arith.constant 16 : i32
      %mul3A_411 = arith.muli %scan3A_19, %mul3A_410 : i32
      %add3A_412 = arith.constant 12 : i32
      %add3A_413 = arith.addi %mul3A_411, %add3A_412 : i32
      %slice3A_414 = vector.extract_strided_slice %get3A_23 {offsets = [12], sizes = [1], strides = [1]} : vector<16xi32> to vector<1xi32>
      %squeeze3A_415 = vector.extract %slice3A_414[0] : i32 from vector<1xi32>
      %dma_start3A_416 = arith.constant 0 : i32
      %dma_start3A_417 = tpu.memref_slice %arg9[%add3A_413, %dma_start3A_416] : memref<512x128xf32, #tpu.memory_space<vmem>> -> memref<1x64xf32, #tpu.memory_space<vmem>>
      %dma_start3A_418 = tpu.memref_squeeze %dma_start3A_417 : memref<1x64xf32, #tpu.memory_space<vmem>> -> memref<64xf32, #tpu.memory_space<vmem>>
      %dma_start3A_419 = arith.constant 0 : i32
      %dma_start3A_420 = tpu.memref_slice %arg4[%squeeze3A_415, %dma_start3A_419] : memref<1000000x64xf32, #tpu.memory_space<hbm>> -> memref<1x64xf32, #tpu.memory_space<hbm>>
      %dma_start3A_421 = tpu.memref_squeeze %dma_start3A_420 : memref<1x64xf32, #tpu.memory_space<hbm>> -> memref<64xf32, #tpu.memory_space<hbm>>
      %dma_start3A_422 = arith.constant 0 : i32
      %dma_start3A_423 = tpu.memref_slice %arg9[%add3A_413, %dma_start3A_422] : memref<512x128xf32, #tpu.memory_space<vmem>> -> memref<1x64xf32, #tpu.memory_space<vmem>>
      %dma_start3A_424 = tpu.memref_squeeze %dma_start3A_423 : memref<1x64xf32, #tpu.memory_space<vmem>> -> memref<64xf32, #tpu.memory_space<vmem>>
      %dma_start3A_425 = arith.constant 0 : i32
      %dma_start3A_426 = tpu.memref_slice %arg4[%squeeze3A_415, %dma_start3A_425] : memref<1000000x64xf32, #tpu.memory_space<hbm>> -> memref<1x64xf32, #tpu.memory_space<hbm>>
      %dma_start3A_427 = tpu.memref_squeeze %dma_start3A_426 : memref<1x64xf32, #tpu.memory_space<hbm>> -> memref<64xf32, #tpu.memory_space<hbm>>
      tpu.enqueue_dma source(%dma_start3A_427 : memref<64xf32, #tpu.memory_space<hbm>>) target(%dma_start3A_424 : memref<64xf32, #tpu.memory_space<vmem>>) target_semaphore(%arg10 : memref<!tpu.dma_semaphore, #tpu.memory_space<semaphore_mem>>)
      %slice3A_428 = vector.extract_strided_slice %get3A_28 {offsets = [12], sizes = [1], strides = [1]} : vector<16xi32> to vector<1xi32>
      %squeeze3A_429 = vector.extract %slice3A_428[0] : i32 from vector<1xi32>
      %dma_start3A_430 = arith.constant 64 : i32
      %dma_start3A_431 = tpu.memref_slice %arg9[%add3A_413, %dma_start3A_430] : memref<512x128xf32, #tpu.memory_space<vmem>> -> memref<1x64xf32, #tpu.memory_space<vmem>>
      %dma_start3A_432 = tpu.memref_squeeze %dma_start3A_431 : memref<1x64xf32, #tpu.memory_space<vmem>> -> memref<64xf32, #tpu.memory_space<vmem>>
      %dma_start3A_433 = arith.constant 0 : i32
      %dma_start3A_434 = tpu.memref_slice %arg5[%squeeze3A_429, %dma_start3A_433] : memref<1000000x64xf32, #tpu.memory_space<hbm>> -> memref<1x64xf32, #tpu.memory_space<hbm>>
      %dma_start3A_435 = tpu.memref_squeeze %dma_start3A_434 : memref<1x64xf32, #tpu.memory_space<hbm>> -> memref<64xf32, #tpu.memory_space<hbm>>
      %dma_start3A_436 = arith.constant 64 : i32
      %dma_start3A_437 = tpu.memref_slice %arg9[%add3A_413, %dma_start3A_436] : memref<512x128xf32, #tpu.memory_space<vmem>> -> memref<1x64xf32, #tpu.memory_space<vmem>>
      %dma_start3A_438 = tpu.memref_squeeze %dma_start3A_437 : memref<1x64xf32, #tpu.memory_space<vmem>> -> memref<64xf32, #tpu.memory_space<vmem>>
      %dma_start3A_439 = arith.constant 0 : i32
      %dma_start3A_440 = tpu.memref_slice %arg5[%squeeze3A_429, %dma_start3A_439] : memref<1000000x64xf32, #tpu.memory_space<hbm>> -> memref<1x64xf32, #tpu.memory_space<hbm>>
      %dma_start3A_441 = tpu.memref_squeeze %dma_start3A_440 : memref<1x64xf32, #tpu.memory_space<hbm>> -> memref<64xf32, #tpu.memory_space<hbm>>
      tpu.enqueue_dma source(%dma_start3A_441 : memref<64xf32, #tpu.memory_space<hbm>>) target(%dma_start3A_438 : memref<64xf32, #tpu.memory_space<vmem>>) target_semaphore(%arg10 : memref<!tpu.dma_semaphore, #tpu.memory_space<semaphore_mem>>)
      %mul3A_442 = arith.constant 16 : i32
      %mul3A_443 = arith.muli %scan3A_19, %mul3A_442 : i32
      %add3A_444 = arith.constant 13 : i32
      %add3A_445 = arith.addi %mul3A_443, %add3A_444 : i32
      %slice3A_446 = vector.extract_strided_slice %get3A_23 {offsets = [13], sizes = [1], strides = [1]} : vector<16xi32> to vector<1xi32>
      %squeeze3A_447 = vector.extract %slice3A_446[0] : i32 from vector<1xi32>
      %dma_start3A_448 = arith.constant 0 : i32
      %dma_start3A_449 = tpu.memref_slice %arg9[%add3A_445, %dma_start3A_448] : memref<512x128xf32, #tpu.memory_space<vmem>> -> memref<1x64xf32, #tpu.memory_space<vmem>>
      %dma_start3A_450 = tpu.memref_squeeze %dma_start3A_449 : memref<1x64xf32, #tpu.memory_space<vmem>> -> memref<64xf32, #tpu.memory_space<vmem>>
      %dma_start3A_451 = arith.constant 0 : i32
      %dma_start3A_452 = tpu.memref_slice %arg4[%squeeze3A_447, %dma_start3A_451] : memref<1000000x64xf32, #tpu.memory_space<hbm>> -> memref<1x64xf32, #tpu.memory_space<hbm>>
      %dma_start3A_453 = tpu.memref_squeeze %dma_start3A_452 : memref<1x64xf32, #tpu.memory_space<hbm>> -> memref<64xf32, #tpu.memory_space<hbm>>
      %dma_start3A_454 = arith.constant 0 : i32
      %dma_start3A_455 = tpu.memref_slice %arg9[%add3A_445, %dma_start3A_454] : memref<512x128xf32, #tpu.memory_space<vmem>> -> memref<1x64xf32, #tpu.memory_space<vmem>>
      %dma_start3A_456 = tpu.memref_squeeze %dma_start3A_455 : memref<1x64xf32, #tpu.memory_space<vmem>> -> memref<64xf32, #tpu.memory_space<vmem>>
      %dma_start3A_457 = arith.constant 0 : i32
      %dma_start3A_458 = tpu.memref_slice %arg4[%squeeze3A_447, %dma_start3A_457] : memref<1000000x64xf32, #tpu.memory_space<hbm>> -> memref<1x64xf32, #tpu.memory_space<hbm>>
      %dma_start3A_459 = tpu.memref_squeeze %dma_start3A_458 : memref<1x64xf32, #tpu.memory_space<hbm>> -> memref<64xf32, #tpu.memory_space<hbm>>
      tpu.enqueue_dma source(%dma_start3A_459 : memref<64xf32, #tpu.memory_space<hbm>>) target(%dma_start3A_456 : memref<64xf32, #tpu.memory_space<vmem>>) target_semaphore(%arg10 : memref<!tpu.dma_semaphore, #tpu.memory_space<semaphore_mem>>)
      %slice3A_460 = vector.extract_strided_slice %get3A_28 {offsets = [13], sizes = [1], strides = [1]} : vector<16xi32> to vector<1xi32>
      %squeeze3A_461 = vector.extract %slice3A_460[0] : i32 from vector<1xi32>
      %dma_start3A_462 = arith.constant 64 : i32
      %dma_start3A_463 = tpu.memref_slice %arg9[%add3A_445, %dma_start3A_462] : memref<512x128xf32, #tpu.memory_space<vmem>> -> memref<1x64xf32, #tpu.memory_space<vmem>>
      %dma_start3A_464 = tpu.memref_squeeze %dma_start3A_463 : memref<1x64xf32, #tpu.memory_space<vmem>> -> memref<64xf32, #tpu.memory_space<vmem>>
      %dma_start3A_465 = arith.constant 0 : i32
      %dma_start3A_466 = tpu.memref_slice %arg5[%squeeze3A_461, %dma_start3A_465] : memref<1000000x64xf32, #tpu.memory_space<hbm>> -> memref<1x64xf32, #tpu.memory_space<hbm>>
      %dma_start3A_467 = tpu.memref_squeeze %dma_start3A_466 : memref<1x64xf32, #tpu.memory_space<hbm>> -> memref<64xf32, #tpu.memory_space<hbm>>
      %dma_start3A_468 = arith.constant 64 : i32
      %dma_start3A_469 = tpu.memref_slice %arg9[%add3A_445, %dma_start3A_468] : memref<512x128xf32, #tpu.memory_space<vmem>> -> memref<1x64xf32, #tpu.memory_space<vmem>>
      %dma_start3A_470 = tpu.memref_squeeze %dma_start3A_469 : memref<1x64xf32, #tpu.memory_space<vmem>> -> memref<64xf32, #tpu.memory_space<vmem>>
      %dma_start3A_471 = arith.constant 0 : i32
      %dma_start3A_472 = tpu.memref_slice %arg5[%squeeze3A_461, %dma_start3A_471] : memref<1000000x64xf32, #tpu.memory_space<hbm>> -> memref<1x64xf32, #tpu.memory_space<hbm>>
      %dma_start3A_473 = tpu.memref_squeeze %dma_start3A_472 : memref<1x64xf32, #tpu.memory_space<hbm>> -> memref<64xf32, #tpu.memory_space<hbm>>
      tpu.enqueue_dma source(%dma_start3A_473 : memref<64xf32, #tpu.memory_space<hbm>>) target(%dma_start3A_470 : memref<64xf32, #tpu.memory_space<vmem>>) target_semaphore(%arg10 : memref<!tpu.dma_semaphore, #tpu.memory_space<semaphore_mem>>)
      %mul3A_474 = arith.constant 16 : i32
      %mul3A_475 = arith.muli %scan3A_19, %mul3A_474 : i32
      %add3A_476 = arith.constant 14 : i32
      %add3A_477 = arith.addi %mul3A_475, %add3A_476 : i32
      %slice3A_478 = vector.extract_strided_slice %get3A_23 {offsets = [14], sizes = [1], strides = [1]} : vector<16xi32> to vector<1xi32>
      %squeeze3A_479 = vector.extract %slice3A_478[0] : i32 from vector<1xi32>
      %dma_start3A_480 = arith.constant 0 : i32
      %dma_start3A_481 = tpu.memref_slice %arg9[%add3A_477, %dma_start3A_480] : memref<512x128xf32, #tpu.memory_space<vmem>> -> memref<1x64xf32, #tpu.memory_space<vmem>>
      %dma_start3A_482 = tpu.memref_squeeze %dma_start3A_481 : memref<1x64xf32, #tpu.memory_space<vmem>> -> memref<64xf32, #tpu.memory_space<vmem>>
      %dma_start3A_483 = arith.constant 0 : i32
      %dma_start3A_484 = tpu.memref_slice %arg4[%squeeze3A_479, %dma_start3A_483] : memref<1000000x64xf32, #tpu.memory_space<hbm>> -> memref<1x64xf32, #tpu.memory_space<hbm>>
      %dma_start3A_485 = tpu.memref_squeeze %dma_start3A_484 : memref<1x64xf32, #tpu.memory_space<hbm>> -> memref<64xf32, #tpu.memory_space<hbm>>
      %dma_start3A_486 = arith.constant 0 : i32
      %dma_start3A_487 = tpu.memref_slice %arg9[%add3A_477, %dma_start3A_486] : memref<512x128xf32, #tpu.memory_space<vmem>> -> memref<1x64xf32, #tpu.memory_space<vmem>>
      %dma_start3A_488 = tpu.memref_squeeze %dma_start3A_487 : memref<1x64xf32, #tpu.memory_space<vmem>> -> memref<64xf32, #tpu.memory_space<vmem>>
      %dma_start3A_489 = arith.constant 0 : i32
      %dma_start3A_490 = tpu.memref_slice %arg4[%squeeze3A_479, %dma_start3A_489] : memref<1000000x64xf32, #tpu.memory_space<hbm>> -> memref<1x64xf32, #tpu.memory_space<hbm>>
      %dma_start3A_491 = tpu.memref_squeeze %dma_start3A_490 : memref<1x64xf32, #tpu.memory_space<hbm>> -> memref<64xf32, #tpu.memory_space<hbm>>
      tpu.enqueue_dma source(%dma_start3A_491 : memref<64xf32, #tpu.memory_space<hbm>>) target(%dma_start3A_488 : memref<64xf32, #tpu.memory_space<vmem>>) target_semaphore(%arg10 : memref<!tpu.dma_semaphore, #tpu.memory_space<semaphore_mem>>)
      %slice3A_492 = vector.extract_strided_slice %get3A_28 {offsets = [14], sizes = [1], strides = [1]} : vector<16xi32> to vector<1xi32>
      %squeeze3A_493 = vector.extract %slice3A_492[0] : i32 from vector<1xi32>
      %dma_start3A_494 = arith.constant 64 : i32
      %dma_start3A_495 = tpu.memref_slice %arg9[%add3A_477, %dma_start3A_494] : memref<512x128xf32, #tpu.memory_space<vmem>> -> memref<1x64xf32, #tpu.memory_space<vmem>>
      %dma_start3A_496 = tpu.memref_squeeze %dma_start3A_495 : memref<1x64xf32, #tpu.memory_space<vmem>> -> memref<64xf32, #tpu.memory_space<vmem>>
      %dma_start3A_497 = arith.constant 0 : i32
      %dma_start3A_498 = tpu.memref_slice %arg5[%squeeze3A_493, %dma_start3A_497] : memref<1000000x64xf32, #tpu.memory_space<hbm>> -> memref<1x64xf32, #tpu.memory_space<hbm>>
      %dma_start3A_499 = tpu.memref_squeeze %dma_start3A_498 : memref<1x64xf32, #tpu.memory_space<hbm>> -> memref<64xf32, #tpu.memory_space<hbm>>
      %dma_start3A_500 = arith.constant 64 : i32
      %dma_start3A_501 = tpu.memref_slice %arg9[%add3A_477, %dma_start3A_500] : memref<512x128xf32, #tpu.memory_space<vmem>> -> memref<1x64xf32, #tpu.memory_space<vmem>>
      %dma_start3A_502 = tpu.memref_squeeze %dma_start3A_501 : memref<1x64xf32, #tpu.memory_space<vmem>> -> memref<64xf32, #tpu.memory_space<vmem>>
      %dma_start3A_503 = arith.constant 0 : i32
      %dma_start3A_504 = tpu.memref_slice %arg5[%squeeze3A_493, %dma_start3A_503] : memref<1000000x64xf32, #tpu.memory_space<hbm>> -> memref<1x64xf32, #tpu.memory_space<hbm>>
      %dma_start3A_505 = tpu.memref_squeeze %dma_start3A_504 : memref<1x64xf32, #tpu.memory_space<hbm>> -> memref<64xf32, #tpu.memory_space<hbm>>
      tpu.enqueue_dma source(%dma_start3A_505 : memref<64xf32, #tpu.memory_space<hbm>>) target(%dma_start3A_502 : memref<64xf32, #tpu.memory_space<vmem>>) target_semaphore(%arg10 : memref<!tpu.dma_semaphore, #tpu.memory_space<semaphore_mem>>)
      %mul3A_506 = arith.constant 16 : i32
      %mul3A_507 = arith.muli %scan3A_19, %mul3A_506 : i32
      %add3A_508 = arith.constant 15 : i32
      %add3A_509 = arith.addi %mul3A_507, %add3A_508 : i32
      %slice3A_510 = vector.extract_strided_slice %get3A_23 {offsets = [15], sizes = [1], strides = [1]} : vector<16xi32> to vector<1xi32>
      %squeeze3A_511 = vector.extract %slice3A_510[0] : i32 from vector<1xi32>
      %dma_start3A_512 = arith.constant 0 : i32
      %dma_start3A_513 = tpu.memref_slice %arg9[%add3A_509, %dma_start3A_512] : memref<512x128xf32, #tpu.memory_space<vmem>> -> memref<1x64xf32, #tpu.memory_space<vmem>>
      %dma_start3A_514 = tpu.memref_squeeze %dma_start3A_513 : memref<1x64xf32, #tpu.memory_space<vmem>> -> memref<64xf32, #tpu.memory_space<vmem>>
      %dma_start3A_515 = arith.constant 0 : i32
      %dma_start3A_516 = tpu.memref_slice %arg4[%squeeze3A_511, %dma_start3A_515] : memref<1000000x64xf32, #tpu.memory_space<hbm>> -> memref<1x64xf32, #tpu.memory_space<hbm>>
      %dma_start3A_517 = tpu.memref_squeeze %dma_start3A_516 : memref<1x64xf32, #tpu.memory_space<hbm>> -> memref<64xf32, #tpu.memory_space<hbm>>
      %dma_start3A_518 = arith.constant 0 : i32
      %dma_start3A_519 = tpu.memref_slice %arg9[%add3A_509, %dma_start3A_518] : memref<512x128xf32, #tpu.memory_space<vmem>> -> memref<1x64xf32, #tpu.memory_space<vmem>>
      %dma_start3A_520 = tpu.memref_squeeze %dma_start3A_519 : memref<1x64xf32, #tpu.memory_space<vmem>> -> memref<64xf32, #tpu.memory_space<vmem>>
      %dma_start3A_521 = arith.constant 0 : i32
      %dma_start3A_522 = tpu.memref_slice %arg4[%squeeze3A_511, %dma_start3A_521] : memref<1000000x64xf32, #tpu.memory_space<hbm>> -> memref<1x64xf32, #tpu.memory_space<hbm>>
      %dma_start3A_523 = tpu.memref_squeeze %dma_start3A_522 : memref<1x64xf32, #tpu.memory_space<hbm>> -> memref<64xf32, #tpu.memory_space<hbm>>
      tpu.enqueue_dma source(%dma_start3A_523 : memref<64xf32, #tpu.memory_space<hbm>>) target(%dma_start3A_520 : memref<64xf32, #tpu.memory_space<vmem>>) target_semaphore(%arg10 : memref<!tpu.dma_semaphore, #tpu.memory_space<semaphore_mem>>)
      %slice3A_524 = vector.extract_strided_slice %get3A_28 {offsets = [15], sizes = [1], strides = [1]} : vector<16xi32> to vector<1xi32>
      %squeeze3A_525 = vector.extract %slice3A_524[0] : i32 from vector<1xi32>
      %dma_start3A_526 = arith.constant 64 : i32
      %dma_start3A_527 = tpu.memref_slice %arg9[%add3A_509, %dma_start3A_526] : memref<512x128xf32, #tpu.memory_space<vmem>> -> memref<1x64xf32, #tpu.memory_space<vmem>>
      %dma_start3A_528 = tpu.memref_squeeze %dma_start3A_527 : memref<1x64xf32, #tpu.memory_space<vmem>> -> memref<64xf32, #tpu.memory_space<vmem>>
      %dma_start3A_529 = arith.constant 0 : i32
      %dma_start3A_530 = tpu.memref_slice %arg5[%squeeze3A_525, %dma_start3A_529] : memref<1000000x64xf32, #tpu.memory_space<hbm>> -> memref<1x64xf32, #tpu.memory_space<hbm>>
      %dma_start3A_531 = tpu.memref_squeeze %dma_start3A_530 : memref<1x64xf32, #tpu.memory_space<hbm>> -> memref<64xf32, #tpu.memory_space<hbm>>
      %dma_start3A_532 = arith.constant 64 : i32
      %dma_start3A_533 = tpu.memref_slice %arg9[%add3A_509, %dma_start3A_532] : memref<512x128xf32, #tpu.memory_space<vmem>> -> memref<1x64xf32, #tpu.memory_space<vmem>>
      %dma_start3A_534 = tpu.memref_squeeze %dma_start3A_533 : memref<1x64xf32, #tpu.memory_space<vmem>> -> memref<64xf32, #tpu.memory_space<vmem>>
      %dma_start3A_535 = arith.constant 0 : i32
      %dma_start3A_536 = tpu.memref_slice %arg5[%squeeze3A_525, %dma_start3A_535] : memref<1000000x64xf32, #tpu.memory_space<hbm>> -> memref<1x64xf32, #tpu.memory_space<hbm>>
      %dma_start3A_537 = tpu.memref_squeeze %dma_start3A_536 : memref<1x64xf32, #tpu.memory_space<hbm>> -> memref<64xf32, #tpu.memory_space<hbm>>
      tpu.enqueue_dma source(%dma_start3A_537 : memref<64xf32, #tpu.memory_space<hbm>>) target(%dma_start3A_534 : memref<64xf32, #tpu.memory_space<vmem>>) target_semaphore(%arg10 : memref<!tpu.dma_semaphore, #tpu.memory_space<semaphore_mem>>)
      %ge3A = arith.constant 1 : i32
      %ge3A_538 = arith.cmpi sge, %scan3A_19, %ge3A : i32
      %convert_element_type3A = arith.extui %ge3A_538 : i1 to i32
      %cond3A = arith.constant 0 : i32
      %cond3A_539 = arith.cmpi ne, %convert_element_type3A, %cond3A : i32
      scf.if %cond3A_539 {
        %dma_wait3A_540 = arith.constant 0 : i32
        %dma_wait3A_541 = arith.constant 0 : i32
        %dma_wait3A_542 = tpu.memref_slice %arg9[%dma_wait3A_540, %dma_wait3A_541] : memref<512x128xf32, #tpu.memory_space<vmem>> -> memref<16x128xf32, #tpu.memory_space<vmem>>
        %dma_wait3A_543 = arith.constant 0 : i32
        %dma_wait3A_544 = arith.constant 0 : i32
        %dma_wait3A_545 = tpu.memref_slice %arg6[%dma_wait3A_543, %dma_wait3A_544] : memref<16384x128xf32, #tpu.memory_space<hbm>> -> memref<16x128xf32, #tpu.memory_space<hbm>>
        %dma_wait3A_546 = arith.constant 0 : i32
        %dma_wait3A_547 = arith.constant 0 : i32
        %dma_wait3A_548 = tpu.memref_slice %arg9[%dma_wait3A_546, %dma_wait3A_547] : memref<512x128xf32, #tpu.memory_space<vmem>> -> memref<16x128xf32, #tpu.memory_space<vmem>>
        %dma_wait3A_549 = arith.constant 0 : i32
        %dma_wait3A_550 = arith.constant 0 : i32
        %dma_wait3A_551 = tpu.memref_slice %arg6[%dma_wait3A_549, %dma_wait3A_550] : memref<16384x128xf32, #tpu.memory_space<hbm>> -> memref<16x128xf32, #tpu.memory_space<hbm>>
        tpu.wait_dma2 semaphore(%arg10 : memref<!tpu.dma_semaphore, #tpu.memory_space<semaphore_mem>>) src(%dma_wait3A_551 : memref<16x128xf32, #tpu.memory_space<hbm>>) dst(%dma_wait3A_548 : memref<16x128xf32, #tpu.memory_space<vmem>>)
      } else {
      }
    }
    %scan3A_7 = arith.constant 32 : i32
    %dma_wait3A = arith.constant 0 : i32
    %dma_wait3A_8 = arith.constant 0 : i32
    %dma_wait3A_9 = tpu.memref_slice %arg9[%dma_wait3A, %dma_wait3A_8] : memref<512x128xf32, #tpu.memory_space<vmem>> -> memref<16x128xf32, #tpu.memory_space<vmem>>
    %dma_wait3A_10 = arith.constant 0 : i32
    %dma_wait3A_11 = arith.constant 0 : i32
    %dma_wait3A_12 = tpu.memref_slice %arg6[%dma_wait3A_10, %dma_wait3A_11] : memref<16384x128xf32, #tpu.memory_space<hbm>> -> memref<16x128xf32, #tpu.memory_space<hbm>>
    %dma_wait3A_13 = arith.constant 0 : i32
    %dma_wait3A_14 = arith.constant 0 : i32
    %dma_wait3A_15 = tpu.memref_slice %arg9[%dma_wait3A_13, %dma_wait3A_14] : memref<512x128xf32, #tpu.memory_space<vmem>> -> memref<16x128xf32, #tpu.memory_space<vmem>>
    %dma_wait3A_16 = arith.constant 0 : i32
    %dma_wait3A_17 = arith.constant 0 : i32
    %dma_wait3A_18 = tpu.memref_slice %arg6[%dma_wait3A_16, %dma_wait3A_17] : memref<16384x128xf32, #tpu.memory_space<hbm>> -> memref<16x128xf32, #tpu.memory_space<hbm>>
    tpu.wait_dma2 semaphore(%arg10 : memref<!tpu.dma_semaphore, #tpu.memory_space<semaphore_mem>>) src(%dma_wait3A_18 : memref<16x128xf32, #tpu.memory_space<hbm>>) dst(%dma_wait3A_15 : memref<16x128xf32, #tpu.memory_space<vmem>>)
    "tpu.region"() ({
      %run_scoped3A = tpu.sem_alloc : memref<!tpu.dma_semaphore, #tpu.memory_space<semaphore_mem>>
      %dma_start3A = arith.constant 0 : i32
      %dma_start3A_19 = tpu.memref_slice %arg6[%mul3A_2, %dma_start3A] : memref<16384x128xf32, #tpu.memory_space<hbm>> -> memref<512x128xf32, #tpu.memory_space<hbm>>
      %dma_start3A_20 = arith.constant 0 : i32
      %dma_start3A_21 = tpu.memref_slice %arg6[%mul3A_2, %dma_start3A_20] : memref<16384x128xf32, #tpu.memory_space<hbm>> -> memref<512x128xf32, #tpu.memory_space<hbm>>
      tpu.enqueue_dma source(%arg9 : memref<512x128xf32, #tpu.memory_space<vmem>>) target(%dma_start3A_21 : memref<512x128xf32, #tpu.memory_space<hbm>>) target_semaphore(%run_scoped3A : memref<!tpu.dma_semaphore, #tpu.memory_space<semaphore_mem>>)
      %dma_wait3A_22 = arith.constant 0 : i32
      %dma_wait3A_23 = tpu.memref_slice %arg6[%mul3A_2, %dma_wait3A_22] : memref<16384x128xf32, #tpu.memory_space<hbm>> -> memref<512x128xf32, #tpu.memory_space<hbm>>
      %dma_wait3A_24 = arith.constant 0 : i32
      %dma_wait3A_25 = tpu.memref_slice %arg6[%mul3A_2, %dma_wait3A_24] : memref<16384x128xf32, #tpu.memory_space<hbm>> -> memref<512x128xf32, #tpu.memory_space<hbm>>
      tpu.wait_dma2 semaphore(%run_scoped3A : memref<!tpu.dma_semaphore, #tpu.memory_space<semaphore_mem>>) src(%arg9 : memref<512x128xf32, #tpu.memory_space<vmem>>) dst(%dma_wait3A_25 : memref<512x128xf32, #tpu.memory_space<hbm>>)
      tpu.yield
    }) : () -> ()
    return
  }
}

module attributes {stable_mosaic.version = 14 : i64} {
  func.func @body(%arg0: i32, %arg1: memref<2048x128xf32, #tpu.memory_space<vmem>>, %arg2: memref<2048x4xi32, #tpu.memory_space<vmem>>, %arg3: memref<2048x1xi32, #tpu.memory_space<vmem>>, %arg4: memref<64x64xf32, #tpu.memory_space<vmem>>, %arg5: memref<128x256xf32, #tpu.memory_space<vmem>>, %arg6: memref<1x256xf32, #tpu.memory_space<vmem>>, %arg7: memref<256x128xf32, #tpu.memory_space<vmem>>, %arg8: memref<1x128xf32, #tpu.memory_space<vmem>>, %arg9: memref<128x1xf32, #tpu.memory_space<vmem>>, %arg10: memref<1x1xf32, #tpu.memory_space<vmem>>, %arg11: memref<2048x1xf32, #tpu.memory_space<vmem>>) attributes {dimension_semantics = [#tpu.dimension_semantics<arbitrary>], iteration_bounds = array<i64: 8>, scalar_prefetch = 0 : i64, scratch_operands = 0 : i64, tpu.core_type = #tpu.core_type<tc>, window_params = [{transform_indices = @transform_0, window_bounds = array<i64: 2048, 128>}, {transform_indices = @transform_1, window_bounds = array<i64: 2048, 4>}, {transform_indices = @transform_2, window_bounds = array<i64: 2048, 1>}, {pipeline_mode = #tpu.pipeline_mode<synchronous>, transform_indices = @transform_3, window_bounds = array<i64: 64, 64>}, {pipeline_mode = #tpu.pipeline_mode<synchronous>, transform_indices = @transform_4, window_bounds = array<i64: 128, 256>}, {pipeline_mode = #tpu.pipeline_mode<synchronous>, transform_indices = @transform_5, window_bounds = array<i64: 1, 256>}, {pipeline_mode = #tpu.pipeline_mode<synchronous>, transform_indices = @transform_6, window_bounds = array<i64: 256, 128>}, {pipeline_mode = #tpu.pipeline_mode<synchronous>, transform_indices = @transform_7, window_bounds = array<i64: 1, 128>}, {pipeline_mode = #tpu.pipeline_mode<synchronous>, transform_indices = @transform_8, window_bounds = array<i64: 128, 1>}, {pipeline_mode = #tpu.pipeline_mode<synchronous>, transform_indices = @transform_9, window_bounds = array<i64: 1, 1>}, {transform_indices = @transform_10, window_bounds = array<i64: 2048, 1>}]} {
    %get3A = arith.constant 0 : index
    %get3A_0 = arith.constant 0 : index
    %get3A_1 = vector.load %arg3[%get3A, %get3A_0] : memref<2048x1xi32, #tpu.memory_space<vmem>>, vector<2048x1xi32>
    %max3A = arith.constant 1 : i32
    %max3A_2 = vector.broadcast %max3A : i32 to vector<2048x1xi32>
    %max3A_3 = arith.maxsi %get3A_1, %max3A_2 : vector<2048x1xi32>
    %convert_element_type3A = arith.sitofp %max3A_3 : vector<2048x1xi32> to vector<2048x1xf32>
    %div3A = arith.constant 1.000000e+00 : f32
    %div3A_4 = vector.broadcast %div3A : f32 to vector<2048x1xf32>
    %div3A_5 = arith.divf %div3A_4, %convert_element_type3A : vector<2048x1xf32>
    %iota3A = tpu.iota {dimensions = array<i32: 1>} : vector<2048x64xi32>
    %get3A_6 = arith.constant 0 : index
    %get3A_7 = arith.constant 0 : index
    %get3A_8 = vector.load %arg2[%get3A_6, %get3A_7] : memref<2048x4xi32, #tpu.memory_space<vmem>>, vector<2048x4xi32>
    %broadcast_in_dim3A = arith.constant 0.000000e+00 : f32
    %broadcast_in_dim3A_9 = vector.broadcast %broadcast_in_dim3A : f32 to vector<2048x64xf32>
    %slice3A = vector.extract_strided_slice %get3A_8 {offsets = [0, 0], sizes = [2048, 1], strides = [1, 1]} : vector<2048x4xi32> to vector<2048x1xi32>
    %gt3A = arith.constant 0 : i32
    %gt3A_10 = vector.broadcast %gt3A : i32 to vector<2048x1xi32>
    %gt3A_11 = arith.cmpi sgt, %get3A_1, %gt3A_10 : vector<2048x1xi32>
    %jit3A = arith.constant 0.000000e+00 : f32
    %broadcast_in_dim3A_12 = vector.broadcast %jit3A : f32 to vector<2048x1xf32>
    %select_n3A = arith.select %gt3A_11, %div3A_5, %broadcast_in_dim3A_12 : vector<2048x1xi1>, vector<2048x1xf32>
    %eq3A = vector.broadcast %slice3A : vector<2048x1xi32> to vector<2048x64xi32>
    %eq3A_13 = arith.cmpi eq, %eq3A, %iota3A : vector<2048x64xi32>
    %jit3A_14 = arith.constant 0.000000e+00 : f32
    %broadcast_in_dim3A_15 = vector.shape_cast %select_n3A : vector<2048x1xf32> to vector<2048x1xf32>
    %broadcast_in_dim3A_16 = vector.broadcast %broadcast_in_dim3A_15 : vector<2048x1xf32> to vector<2048x64xf32>
    %broadcast_in_dim3A_17 = vector.broadcast %jit3A_14 : f32 to vector<2048x64xf32>
    %select_n3A_18 = arith.select %eq3A_13, %broadcast_in_dim3A_16, %broadcast_in_dim3A_17 : vector<2048x64xi1>, vector<2048x64xf32>
    %add3A = arith.addf %broadcast_in_dim3A_9, %select_n3A_18 : vector<2048x64xf32>
    %slice3A_19 = vector.extract_strided_slice %get3A_8 {offsets = [0, 1], sizes = [2048, 1], strides = [1, 1]} : vector<2048x4xi32> to vector<2048x1xi32>
    %gt3A_20 = arith.constant 1 : i32
    %gt3A_21 = vector.broadcast %gt3A_20 : i32 to vector<2048x1xi32>
    %gt3A_22 = arith.cmpi sgt, %get3A_1, %gt3A_21 : vector<2048x1xi32>
    %jit3A_23 = arith.constant 0.000000e+00 : f32
    %broadcast_in_dim3A_24 = vector.broadcast %jit3A_23 : f32 to vector<2048x1xf32>
    %select_n3A_25 = arith.select %gt3A_22, %div3A_5, %broadcast_in_dim3A_24 : vector<2048x1xi1>, vector<2048x1xf32>
    %eq3A_26 = vector.broadcast %slice3A_19 : vector<2048x1xi32> to vector<2048x64xi32>
    %eq3A_27 = arith.cmpi eq, %eq3A_26, %iota3A : vector<2048x64xi32>
    %jit3A_28 = arith.constant 0.000000e+00 : f32
    %broadcast_in_dim3A_29 = vector.shape_cast %select_n3A_25 : vector<2048x1xf32> to vector<2048x1xf32>
    %broadcast_in_dim3A_30 = vector.broadcast %broadcast_in_dim3A_29 : vector<2048x1xf32> to vector<2048x64xf32>
    %broadcast_in_dim3A_31 = vector.broadcast %jit3A_28 : f32 to vector<2048x64xf32>
    %select_n3A_32 = arith.select %eq3A_27, %broadcast_in_dim3A_30, %broadcast_in_dim3A_31 : vector<2048x64xi1>, vector<2048x64xf32>
    %add3A_33 = arith.addf %add3A, %select_n3A_32 : vector<2048x64xf32>
    %slice3A_34 = vector.extract_strided_slice %get3A_8 {offsets = [0, 2], sizes = [2048, 1], strides = [1, 1]} : vector<2048x4xi32> to vector<2048x1xi32>
    %gt3A_35 = arith.constant 2 : i32
    %gt3A_36 = vector.broadcast %gt3A_35 : i32 to vector<2048x1xi32>
    %gt3A_37 = arith.cmpi sgt, %get3A_1, %gt3A_36 : vector<2048x1xi32>
    %jit3A_38 = arith.constant 0.000000e+00 : f32
    %broadcast_in_dim3A_39 = vector.broadcast %jit3A_38 : f32 to vector<2048x1xf32>
    %select_n3A_40 = arith.select %gt3A_37, %div3A_5, %broadcast_in_dim3A_39 : vector<2048x1xi1>, vector<2048x1xf32>
    %eq3A_41 = vector.broadcast %slice3A_34 : vector<2048x1xi32> to vector<2048x64xi32>
    %eq3A_42 = arith.cmpi eq, %eq3A_41, %iota3A : vector<2048x64xi32>
    %jit3A_43 = arith.constant 0.000000e+00 : f32
    %broadcast_in_dim3A_44 = vector.shape_cast %select_n3A_40 : vector<2048x1xf32> to vector<2048x1xf32>
    %broadcast_in_dim3A_45 = vector.broadcast %broadcast_in_dim3A_44 : vector<2048x1xf32> to vector<2048x64xf32>
    %broadcast_in_dim3A_46 = vector.broadcast %jit3A_43 : f32 to vector<2048x64xf32>
    %select_n3A_47 = arith.select %eq3A_42, %broadcast_in_dim3A_45, %broadcast_in_dim3A_46 : vector<2048x64xi1>, vector<2048x64xf32>
    %add3A_48 = arith.addf %add3A_33, %select_n3A_47 : vector<2048x64xf32>
    %slice3A_49 = vector.extract_strided_slice %get3A_8 {offsets = [0, 3], sizes = [2048, 1], strides = [1, 1]} : vector<2048x4xi32> to vector<2048x1xi32>
    %gt3A_50 = arith.constant 3 : i32
    %gt3A_51 = vector.broadcast %gt3A_50 : i32 to vector<2048x1xi32>
    %gt3A_52 = arith.cmpi sgt, %get3A_1, %gt3A_51 : vector<2048x1xi32>
    %jit3A_53 = arith.constant 0.000000e+00 : f32
    %broadcast_in_dim3A_54 = vector.broadcast %jit3A_53 : f32 to vector<2048x1xf32>
    %select_n3A_55 = arith.select %gt3A_52, %div3A_5, %broadcast_in_dim3A_54 : vector<2048x1xi1>, vector<2048x1xf32>
    %eq3A_56 = vector.broadcast %slice3A_49 : vector<2048x1xi32> to vector<2048x64xi32>
    %eq3A_57 = arith.cmpi eq, %eq3A_56, %iota3A : vector<2048x64xi32>
    %jit3A_58 = arith.constant 0.000000e+00 : f32
    %broadcast_in_dim3A_59 = vector.shape_cast %select_n3A_55 : vector<2048x1xf32> to vector<2048x1xf32>
    %broadcast_in_dim3A_60 = vector.broadcast %broadcast_in_dim3A_59 : vector<2048x1xf32> to vector<2048x64xf32>
    %broadcast_in_dim3A_61 = vector.broadcast %jit3A_58 : f32 to vector<2048x64xf32>
    %select_n3A_62 = arith.select %eq3A_57, %broadcast_in_dim3A_60, %broadcast_in_dim3A_61 : vector<2048x64xi1>, vector<2048x64xf32>
    %add3A_63 = arith.addf %add3A_48, %select_n3A_62 : vector<2048x64xf32>
    %get3A_64 = arith.constant 0 : index
    %get3A_65 = arith.constant 0 : index
    %get3A_66 = vector.load %arg4[%get3A_64, %get3A_65] : memref<64x64xf32, #tpu.memory_space<vmem>>, vector<64x64xf32>
    %dot_general3A = arith.constant dense<0.000000e+00> : vector<2048x64xf32>
    %dot_general3A_67 = tpu.matmul %add3A_63, %get3A_66, %dot_general3A {dimension_numbers = #tpu.dot_dimension_numbers<[1], [0], [0], [1], [0, 0, 1, 1], [], []>, precision = #tpu.contract_precision<fp32>, transpose_lhs_hint = false} : vector<2048x64xf32>, vector<64x64xf32>, vector<2048x64xf32> -> vector<2048x64xf32>
    %get3A_68 = arith.constant 0 : index
    %get3A_69 = arith.constant 0 : index
    %get3A_70 = vector.load %arg1[%get3A_68, %get3A_69] : memref<2048x128xf32, #tpu.memory_space<vmem>>, vector<2048x128xf32>
    %slice3A_71 = vector.extract_strided_slice %get3A_70 {offsets = [0, 0], sizes = [2048, 64], strides = [1, 1]} : vector<2048x128xf32> to vector<2048x64xf32>
    %slice3A_72 = vector.extract_strided_slice %get3A_70 {offsets = [0, 64], sizes = [2048, 64], strides = [1, 1]} : vector<2048x128xf32> to vector<2048x64xf32>
    %add3A_73 = arith.addf %slice3A_72, %dot_general3A_67 : vector<2048x64xf32>
    %get3A_74 = arith.constant 0 : index
    %get3A_75 = arith.constant 0 : index
    %get3A_76 = vector.load %arg5[%get3A_74, %get3A_75] : memref<128x256xf32, #tpu.memory_space<vmem>>, vector<128x256xf32>
    %slice3A_77 = vector.extract_strided_slice %get3A_76 {offsets = [0, 0], sizes = [64, 256], strides = [1, 1]} : vector<128x256xf32> to vector<64x256xf32>
    %dot_general3A_78 = arith.constant dense<0.000000e+00> : vector<2048x256xf32>
    %dot_general3A_79 = tpu.matmul %slice3A_71, %slice3A_77, %dot_general3A_78 {dimension_numbers = #tpu.dot_dimension_numbers<[1], [0], [0], [1], [0, 0, 1, 1], [], []>, precision = #tpu.contract_precision<fp32>, transpose_lhs_hint = false} : vector<2048x64xf32>, vector<64x256xf32>, vector<2048x256xf32> -> vector<2048x256xf32>
    %slice3A_80 = vector.extract_strided_slice %get3A_76 {offsets = [64, 0], sizes = [64, 256], strides = [1, 1]} : vector<128x256xf32> to vector<64x256xf32>
    %dot_general3A_81 = arith.constant dense<0.000000e+00> : vector<2048x256xf32>
    %dot_general3A_82 = tpu.matmul %add3A_73, %slice3A_80, %dot_general3A_81 {dimension_numbers = #tpu.dot_dimension_numbers<[1], [0], [0], [1], [0, 0, 1, 1], [], []>, precision = #tpu.contract_precision<fp32>, transpose_lhs_hint = false} : vector<2048x64xf32>, vector<64x256xf32>, vector<2048x256xf32> -> vector<2048x256xf32>
    %add3A_83 = arith.addf %dot_general3A_79, %dot_general3A_82 : vector<2048x256xf32>
    %get3A_84 = arith.constant 0 : index
    %get3A_85 = arith.constant 0 : index
    %get3A_86 = vector.load %arg6[%get3A_84, %get3A_85] : memref<1x256xf32, #tpu.memory_space<vmem>>, vector<1x256xf32>
    %add3A_87 = vector.broadcast %get3A_86 : vector<1x256xf32> to vector<2048x256xf32>
    %add3A_88 = arith.addf %add3A_83, %add3A_87 : vector<2048x256xf32>
    %max3A_89 = arith.constant 0.000000e+00 : f32
    %max3A_90 = vector.broadcast %max3A_89 : f32 to vector<2048x256xf32>
    %max3A_91 = arith.maximumf %add3A_88, %max3A_90 : vector<2048x256xf32>
    %get3A_92 = arith.constant 0 : index
    %get3A_93 = arith.constant 0 : index
    %get3A_94 = vector.load %arg7[%get3A_92, %get3A_93] : memref<256x128xf32, #tpu.memory_space<vmem>>, vector<256x128xf32>
    %dot_general3A_95 = arith.constant dense<0.000000e+00> : vector<2048x128xf32>
    %dot_general3A_96 = tpu.matmul %max3A_91, %get3A_94, %dot_general3A_95 {dimension_numbers = #tpu.dot_dimension_numbers<[1], [0], [0], [1], [0, 0, 1, 1], [], []>, precision = #tpu.contract_precision<fp32>, transpose_lhs_hint = false} : vector<2048x256xf32>, vector<256x128xf32>, vector<2048x128xf32> -> vector<2048x128xf32>
    %get3A_97 = arith.constant 0 : index
    %get3A_98 = arith.constant 0 : index
    %get3A_99 = vector.load %arg8[%get3A_97, %get3A_98] : memref<1x128xf32, #tpu.memory_space<vmem>>, vector<1x128xf32>
    %add3A_100 = vector.broadcast %get3A_99 : vector<1x128xf32> to vector<2048x128xf32>
    %add3A_101 = arith.addf %dot_general3A_96, %add3A_100 : vector<2048x128xf32>
    %get3A_102 = arith.constant 0 : index
    %get3A_103 = arith.constant 0 : index
    %get3A_104 = vector.load %arg9[%get3A_102, %get3A_103] : memref<128x1xf32, #tpu.memory_space<vmem>>, vector<128x1xf32>
    %dot_general3A_105 = arith.constant dense<0.000000e+00> : vector<2048x1xf32>
    %dot_general3A_106 = tpu.matmul %add3A_101, %get3A_104, %dot_general3A_105 {dimension_numbers = #tpu.dot_dimension_numbers<[1], [0], [0], [1], [0, 0, 1, 1], [], []>, precision = #tpu.contract_precision<fp32>, transpose_lhs_hint = false} : vector<2048x128xf32>, vector<128x1xf32>, vector<2048x1xf32> -> vector<2048x1xf32>
    %get3A_107 = arith.constant 0 : index
    %get3A_108 = arith.constant 0 : index
    %get3A_109 = vector.load %arg10[%get3A_107, %get3A_108] : memref<1x1xf32, #tpu.memory_space<vmem>>, vector<1x1xf32>
    %add3A_110 = vector.broadcast %get3A_109 : vector<1x1xf32> to vector<2048x1xf32>
    %add3A_111 = arith.addf %dot_general3A_106, %add3A_110 : vector<2048x1xf32>
    %swap3A = arith.constant 0 : index
    %swap3A_112 = arith.constant 0 : index
    %swap3A_113 = vector.load %arg11[%swap3A, %swap3A_112] : memref<2048x1xf32, #tpu.memory_space<vmem>>, vector<2048x1xf32>
    tpu.vector_store %arg11[%swap3A, %swap3A_112], %add3A_111 {strides = array<i32>} : memref<2048x1xf32, #tpu.memory_space<vmem>>, vector<2048x1xf32>,
    return
  }
  func.func @transform_0(%arg0: i32) -> (i32, i32) {
    %c0_i32 = arith.constant 0 : i32
    %c0_i32_0 = arith.constant 0 : i32
    return %arg0, %c0_i32 : i32, i32
  }
  func.func @transform_1(%arg0: i32) -> (i32, i32) {
    %c0_i32 = arith.constant 0 : i32
    %c0_i32_0 = arith.constant 0 : i32
    return %arg0, %c0_i32 : i32, i32
  }
  func.func @transform_2(%arg0: i32) -> (i32, i32) {
    %c0_i32 = arith.constant 0 : i32
    %c0_i32_0 = arith.constant 0 : i32
    return %arg0, %c0_i32 : i32, i32
  }
  func.func @transform_3(%arg0: i32) -> (i32, i32) {
    %c0_i32 = arith.constant 0 : i32
    %c0_i32_0 = arith.constant 0 : i32
    %c0_i32_1 = arith.constant 0 : i32
    return %c0_i32, %c0_i32_0 : i32, i32
  }
  func.func @transform_4(%arg0: i32) -> (i32, i32) {
    %c0_i32 = arith.constant 0 : i32
    %c0_i32_0 = arith.constant 0 : i32
    %c0_i32_1 = arith.constant 0 : i32
    return %c0_i32, %c0_i32_0 : i32, i32
  }
  func.func @transform_5(%arg0: i32) -> (i32, i32) {
    %c0_i32 = arith.constant 0 : i32
    %c0_i32_0 = arith.constant 0 : i32
    %c0_i32_1 = arith.constant 0 : i32
    return %c0_i32, %c0_i32_0 : i32, i32
  }
  func.func @transform_6(%arg0: i32) -> (i32, i32) {
    %c0_i32 = arith.constant 0 : i32
    %c0_i32_0 = arith.constant 0 : i32
    %c0_i32_1 = arith.constant 0 : i32
    return %c0_i32, %c0_i32_0 : i32, i32
  }
  func.func @transform_7(%arg0: i32) -> (i32, i32) {
    %c0_i32 = arith.constant 0 : i32
    %c0_i32_0 = arith.constant 0 : i32
    %c0_i32_1 = arith.constant 0 : i32
    return %c0_i32, %c0_i32_0 : i32, i32
  }
  func.func @transform_8(%arg0: i32) -> (i32, i32) {
    %c0_i32 = arith.constant 0 : i32
    %c0_i32_0 = arith.constant 0 : i32
    %c0_i32_1 = arith.constant 0 : i32
    return %c0_i32, %c0_i32_0 : i32, i32
  }
  func.func @transform_9(%arg0: i32) -> (i32, i32) {
    %c0_i32 = arith.constant 0 : i32
    %c0_i32_0 = arith.constant 0 : i32
    %c0_i32_1 = arith.constant 0 : i32
    return %c0_i32, %c0_i32_0 : i32, i32
  }
  func.func @transform_10(%arg0: i32) -> (i32, i32) {
    %c0_i32 = arith.constant 0 : i32
    %c0_i32_0 = arith.constant 0 : i32
    return %arg0, %c0_i32 : i32, i32
  }
}

</mosaic_0001>

<sc_bundles>
// kernel: kernel.4.cloned.1.call-start
scs
__scs_entry_jumppad:
0x0: {  	(pc) =	sbr.rel $0x88, $3  }
0x1: {  	(tag) =	ssettag $0x0;
	lr =	simm.s32 $0x1  }
0x2: {  	[smem:$0x3F94] =	sst lr;
	_ =	strace $0xD0000000  }
0x3: {  	_ = 	snop  }
0x4: {  	_ = 	snop  }
0x5: {  	_ = 	snop  }
0x6: {  	_ = 	snop  }
0x7: {  	_ = 	snop  }
__scs_overlays_trampoline_lowered:
0x8: {  	[smem:$0x3FA3] =	sst s0  }
0x9: {  	[smem:$0x3FA4] =	sst s1  }
0xa: {  	[smem:$0x3FA5] =	sst s2  }
0xb: {  	[smem:$0x3FA6] =	sst s3  }
0xc: {  	[smem:$0x3FA7] =	sst s4  }
0xd: {  	[smem:$0x3FA8] =	sst s5  }
0xe: {  	[smem:$0x3FA9] =	sst s6  }
0xf: {  	[smem:$0x3FAA] =	sst s7  }
0x10: {  	[smem:$0x3FAB] =	sst s8  }
0x11: {  	[smem:$0x3FAC] =	sst s9;
	s0 =	simm.s32 @!p0 $0x0  }
0x12: {  	s1 =	sld [smem:$0x3F92];
	s0 =	simm.s32 @p0 $0x1  }
0x13: {  	[smem:$0x3FAD] =	sst s0;
	s0 =	simm.s32 @!p1 $0x0  }
0x14: {  	s2 =	sld [smem:$0x3F91];
	s0 =	simm.s32 @p1 $0x1  }
0x15: {  	[smem:$0x3FAE] =	sst s0;
	s0 =	simm.s32 @!p2 $0x0  }
0x16: {  	s3 =	sld [smem:$0x3FDB];
	s0 =	simm.s32 @p2 $0x1  }
0x17: {  	s4 =	simm.s32 $0x1BF5;
	[smem:$0x3FB0] =	sst s0  }
0x18: {  	s0 =	sld [smem:$0x3F93];
	_ =	swait.ge [sflag:s4], $0x0  }
0x19: {  	s7 =	sld [smem:$0x3F94]  }
0x1a: {  	s8 =	sadd.s32 $0xFFFFE003, lr  }
0x1b: {  	s9 =	sadd.s32 $0xFFFFFEF7, lr;
	s5 =	simm.s32 $0xFFFFFFFF;
	p2 =	slt.u32 s8, $0xFFFFF086  }
0x1c: {  	p1 =	slt.u32 s9, $0xF7A;
	s5 =	simm.s32 @!p2 $0x0  }
0x1d: {  	s5 =	simm.s32 @p1 $0x1;
	p0 =	seq.s32 s7, s2  }
0x1e: {  	s7 =	smul.u32 @!p0 $0xF7A, s2;
	p2 =	seq.s32 @!p0 s5, $0x0  }
0x1f: {  	s9 =	smul.u32 $0xF7A, s1;
	s8 =	simm.s32 @!p0 $0x1BF5;
	p2 =	por !p2, p0  }
0x20: {  	[sflag:s8] =	ssyncset.s32 @!p0 $0xFFFFF086;
	s6 =	sadd.s32 @!p0 s3, s7;
	s7 =	simm.s32 @!p0 $0x108  }
0x21: {  	s3 =	sadd.s32 s3, s9;
	s6 =	sadd.s32 @!p0 $0x88, s6;
	s7 =	simm.s32 @p2 $0x1082  }
0x22: {  	[simem:s7], [sflag:s8] =	dma.local @!p0 [hbm:s6], $0xF7A  }
0x23: {  	s9 =	sor.u32 $0xD0000000, s2;
	s6 =	simm.s32 $0x108;
	_ =	swait.ge @!p0 [sflag:s8], $0x0  }
0x24: {  	s3 =	sadd.s32 $0x88, s3;
	s6 =	simm.s32 @!p1 $0x1082;
	[sflag:s4] =	ssyncset.s32 $0xFFFFF086  }
0x25: {  	[simem:s6], [sflag:s4] =	dma.local [hbm:s3], $0xF7A  }
0x26: {  	[smem:$0x3F94] =	sst s1;
	(tag) =	ssettag s2;
	_ =	strace s9  }
0x27: {  	s1 =	sld [smem:$0x3FA4]  }
0x28: {  	s2 =	sld [smem:$0x3FA5]  }
0x29: {  	s4 =	sld [smem:$0x3FA7]  }
0x2a: {  	p0 =	seq.s32 s5, $0x0;
	s5 =	sld [smem:$0x3FA8]  }
0x2b: {  	s6 =	sld [smem:$0x3FA9]  }
0x2c: {  	s7 =	sld [smem:$0x3FAA]  }
0x2d: {  	s3 =	simm.s32 $0x108;
	s8 =	sld [smem:$0x3FAB]  }
0x2e: {  	s3 =	simm.s32 @!p0 $0x1082;
	s9 =	sld [smem:$0x3FAC]  }
0x2f: {  	lr =	sadd.s32 s0, s3;
	s0 =	sld [smem:$0x3FA3]  }
0x30: {  	s3 =	sld [smem:$0x3FA6]  }
0x31: {  	[smem:$0x3FAF] =	sst s10  }
0x32: {  	s10 =	sld [smem:$0x3FAD];
	_ =	sdelay $0x3  }
0x33: {  	p0 =	seq.s32 s10, $0x1;
	s10 =	sld [smem:$0x3FAF];
	_ =	sdelay $0x3  }
0x34: {  	[smem:$0x3FAF] =	sst s10  }
0x35: {  	s10 =	sld [smem:$0x3FAE];
	_ =	sdelay $0x3  }
0x36: {  	p1 =	seq.s32 s10, $0x1;
	s10 =	sld [smem:$0x3FAF];
	_ =	sdelay $0x3  }
0x37: {  	[smem:$0x3FAF] =	sst s10  }
0x38: {  	s10 =	sld [smem:$0x3FB0]  }
0x39: {  	_ = 	snop;
	(pc) =	sbr.ind lr, $3  }
0x3a: {  	_ = 	snop  }
0x3b: {  	_ = 	snop  }
0x3c: {  	p2 =	seq.s32 s10, $0x1;
	s10 =	sld [smem:$0x3FAF]  }
0x3d: {  	_ =	shalt  }
0x3e: {  	_ =	shalt  }
0x3f: {  	_ =	shalt  }
0x40: {  	_ =	shalt  }
0x41: {  	_ =	shalt  }
0x42: {  	_ =	shalt  }
0x43: {  	_ =	shalt  }
0x44: {  	_ =	shalt  }
0x45: {  	_ =	shalt  }
0x46: {  	_ =	shalt  }
0x47: {  	_ =	shalt  }
0x48: {  	_ =	shalt  }
0x49: {  	_ =	shalt  }
0x4a: {  	_ =	shalt  }
0x4b: {  	_ =	shalt  }
0x4c: {  	_ =	shalt  }
0x4d: {  	_ =	shalt  }
0x4e: {  	_ =	shalt  }
0x4f: {  	_ =	shalt  }
0x50: {  	_ =	shalt  }
0x51: {  	_ =	shalt  }
0x52: {  	_ =	shalt  }
0x53: {  	_ =	shalt  }
0x54: {  	_ =	shalt  }
0x55: {  	_ =	shalt  }
0x56: {  	_ =	shalt  }
0x57: {  	_ =	shalt  }
0x58: {  	_ =	shalt  }
0x59: {  	_ =	shalt  }
0x5a: {  	_ =	shalt  }
0x5b: {  	_ =	shalt  }
0x5c: {  	_ =	shalt  }
0x5d: {  	_ =	shalt  }
0x5e: {  	_ =	shalt  }
0x5f: {  	_ =	shalt  }
0x60: {  	_ =	shalt  }
0x61: {  	_ =	shalt  }
0x62: {  	_ =	shalt  }
0x63: {  	_ =	shalt  }
0x64: {  	_ =	shalt  }
0x65: {  	_ =	shalt  }
0x66: {  	_ =	shalt  }
0x67: {  	_ =	shalt  }
0x68: {  	_ =	shalt  }
0x69: {  	_ =	shalt  }
0x6a: {  	_ =	shalt  }
0x6b: {  	_ =	shalt  }
0x6c: {  	_ =	shalt  }
0x6d: {  	_ =	shalt  }
0x6e: {  	_ =	shalt  }
0x6f: {  	_ =	shalt  }
0x70: {  	_ =	shalt  }
0x71: {  	_ =	shalt  }
0x72: {  	_ =	shalt  }
0x73: {  	_ =	shalt  }
0x74: {  	_ =	shalt  }
0x75: {  	_ =	shalt  }
0x76: {  	_ =	shalt  }
0x77: {  	_ =	shalt  }
0x78: {  	_ =	shalt  }
0x79: {  	_ =	shalt  }
0x7a: {  	_ =	shalt  }
0x7b: {  	_ =	shalt  }
0x7c: {  	_ =	shalt  }
0x7d: {  	_ =	shalt  }
0x7e: {  	_ =	shalt  }
0x7f: {  	_ =	shalt  }
0x80: {  	_ =	shalt  }
0x81: {  	_ =	shalt  }
0x82: {  	_ =	shalt  }
0x83: {  	_ =	shalt  }
0x84: {  	_ =	shalt  }
0x85: {  	_ =	shalt  }
0x86: {  	_ =	shalt  }
0x87: {  	_ =	shalt  }
.Lfunc_end0:
.L_simem_size_0:
called_computation_lowered:
.L_overlay_start_0:
0x88: {  	s2 =	sld [smem:$0x3FD9]  }
0x89: {  	s3 =	sld [smem:$0x3FFE];
	_ =	sdelay $0x1  }
0x8a: {  	s1 =	srdreg.scid  }
0x8b: {  	s0 =	sand.u32 $0x1, s1  }
0x8c: {  	s17 =	sshll.u32 s0, $0xA;
	s2 =	sadd.s32 s3, s2  }
0x8d: {  	s2 =	sadd.s32 s2, s17  }
0x8e: {  	[smem:$0x3FBB] =	sst s2  }
0x8f: {  	_ = 	snop  }
0x90: {  	s2 =	sld [smem:$0x3FC9]  }
0x91: {  	s18 =	sld [smem:$0x3FC8];
	(tm) =	ssettm $0x1  }
0x92: {  	s4 =	sld [smem:$0x3FFB];
	_ =	sdelay $0x3  }
0x93: {  	_ =	strace s4  }
0x94: {  	s4 =	sld [smem:$0x3FFC];
	_ =	sdelay $0x3  }
0x95: {  	_ =	strace s4  }
0x96: {  	s4 =	sld [smem:$0x3FFD];
	_ =	sdelay $0x3  }
0x97: {  	_ =	strace s4  }
0x98: {  	_ =	strace $0x8FFFFFFF  }
0x99: {  	s19 =	sld [smem:$0x3FDB];
	_ =	sdelay $0x1  }
0x9a: {  	s5 =	simm.s32 $_scs_section_size  }
0x9b: {  	s6 =	simm.s32 $_size__tile_overlayer_lowered;
	s7 =	simm.s32 $_tile_overlayer_lowered  }
0x9c: {  	s22 =	simm.s32 $0x1BFF;
	s21 =	sshll.u32 s7, $0x1;
	s4 =	sadd.s32 s5, s19  }
0x9d: {  	s8 =	simm.s32 $0x0;
	s20 =	sshll.u32 s6, $0x1;
	s6 =	sadd.s32 s21, s4  }
0x9e: {  	[timem:s8], [sflag:s22] =	dma.local [hbm:s6], s20  }
0x9f: {  	_ =	swait.ge [sflag:s22], s20  }
0xa0: {  	s5 =	ssub.s32 $0x0, s20;
	[sflag:s22] =	ssyncset.done $0x0  }
0xa1: {  	[sflag:s22] =	ssyncadd.s32 s5;
	_ =	sdelay $0x1  }
0xa2: {  	s23 =	simm.s32 $0x1B8B  }
0xa3: {  	_ =	swait.ge [sflag:s23], $0x1  }
0xa4: {  	[sflag:s23] =	ssyncset.done $0x0  }
0xa5: {  	s25 =	simm.s32 $0x1B8E;
	s24 =	sld [smem:$0x3FFE];
	[sflag:s23] =	ssyncadd.s32 $0xFFFFFFFF  }
0xa6: {  	s26 =	simm.s32 $execute0_lowered;
	[smem:$0x3FD2] =	sst s25  }
0xa7: {  	s6 =	sshll.u32 s26, $0x1;
	_ =	strace $0x80000046;
	[dreg:$0x1] =	wrdreg $0xFFFFFFFF  }
0xa8: {  	s28 =	simm.s32 $_size_execute0_lowered;
	s4 =	sadd.s32 s4, s6;
	[dreg:$0x0] =	wrdreg $0x0  }
0xa9: {  	s6 =	sshll.u32 s28, $0x1;
	[dreg:$0x2] =	wrdreg s4  }
0xaa: {  	[dreg:$0x3] =	wrdreg s6  }
0xab: {  	[dreg:$0x4] =	wrdreg $0xC0  }
0xac: {  	_ =	task [dreg:s8], $0x5FFFF  }
0xad: {  	[dreg:$0x1] =	wrdreg $0xFFFFFFFF  }
0xae: {  	[dreg:$0x0] =	wrdreg $0x60  }
0xaf: {  	[dreg:$0x2] =	wrdreg s2  }
0xb0: {  	[dreg:$0x3] =	wrdreg s18  }
0xb1: {  	[dreg:$0x4] =	wrdreg s24  }
0xb2: {  	[dreg:$0x5] =	wrdreg $0x9  }
0xb3: {  	_ =	task.clear_ibuf [dreg:s8], $0x6FFFF;
	_ =	strace $0x90000046  }
0xb4: {  	s29 =	simm.s32 $0x9;
	_ =	strace $0x80000048  }
0xb5: {  	_ =	swait.ge [sflag:s29], $0x1  }
0xb6: {  	[sflag:s29] =	ssyncadd.s32 $0xFFFFFFFF  }
0xb7: {  	_ =	strace $0x90000048  }
0xb8: {  	_ =	sfence  }
0xb9: {  	s30 =	sld [smem:$0x0];
	_ =	sdelay $0x2  }
0xba: {  	s31 =	sshll.u32 s1, $0xD;
	s1 =	sshrl.u32 s1, $0x2  }
0xbb: {  	s3 =	sand.u32 $0x4000, s31;
	s1 =	sadd.s32 s1, s30  }
0xbc: {  	s0 =	sor.u32 s3, s0;
	s1 =	sshll.u32 s1, $0x11  }
0xbd: {  	s0 =	sor.u32 s1, s0  }
0xbe: {  	s0 =	sadd.s32 $0x8F2B, s0  }
0xbf: {  	[sflag:s0] =	ssyncadd.remote.s32 $0x1  }
0xc0: {  	_ =	sfence.sel $0xFFFF  }
0xc1: {  	[dreg:$0x0] =	wrdreg $0xFFFFFFFF;
	(pc) =	sbr.abs _section_cstart, $3  }
0xc2: {  	[dreg:$0x1] =	wrdreg $0xFFFFFFFF  }
0xc3: {  	_ =	task.clear_ibuf [dreg:s8], $0x2FFFF;
	_ =	strace $0x9FFFFFFF  }
0xc4: {  	(tm) =	ssettm $0x7FFFFFFF  }
0xc5: {  	_ =	shalt  }
tec
execute0_lowered:
.L_overlay_start_1:
0x0: {  	(tag) =	ssettag $0x1  }
0x1: {  	s0 =	rddreg [dreg:$0x0]  }
0x2: {  	s1 =	rddreg [dreg:$0x1]  }
0x3: {  	s5 =	rddreg [dreg:$0x2];
	s2 =	simm.s32 $0x0;
	s3 =	srdreg.scid  }
0x4: {  	s6 =	stileid.u32;
	s10 =	simm.s32 $0x80;
	s4 =	sand.u32 $0x1, s3  }
0x5: {  	s11 =	simm.s32 $0x400;
	s6 =	sshll.u32 s6, $0xA;
	s7 =	sshll.u32 s4, $0x9  }
0x6: {  	s13 =	simm.s32 $0x0;
	[smem:$0x7FF] =	sst s2;
	s6 =	sor.u32 s7, s6  }
0x7: {  	s28 =	ssub.s32 $0x2, s4;
	s8 =	sshll.u32 s6, $0x4;
	s6 =	sshrl.u32 s6, $0x3  }
0x8: {  	_ =	strace $0x80000047;
	s9 =	sshrl.u32 s28, $0x1;
	s0 =	sadd.s32 s0, s6  }
0x9: {  	s9 =	ssub.s32 s28, s9;
	s29 =	sadd.s32 s1, s6;
	[dreg:$0x4] =	wrdreg s0  }
0xa: {  	s8 =	sadd.s32 s8, s5;
	s31 =	smax.u32 s9, $0x1;
	[dreg:$0x5] =	wrdreg s29  }
0xb: {  	s3 =	sadd.s32 $0x1200, s5;
	s30 =	sadd.s32 $0x1E85A00, s8;
	[dreg:$0x7] =	wrdreg s31  }
0xc: {  	s4 =	sadd.s32 $0xF43600, s5;
	s9 =	simm.s32 $0x2;
	[dreg:$0x6] =	wrdreg s30  }
.LBB2_1:
0xd: {  	s0 =	rddreg [dreg:$0x4]  }
0xe: {  	[tilespmem:s2], [sflag:$0x2] =	stream.linear.gather [hbm4b:s0+s2], $0x200, $0x38;
	[tilespmem:$0x10400] =	vst v63  }
0xf: {  	_ =	swait.ge [sflag:s9], $0x200  }
0x10: {  	[sflag:s9] =	ssyncset.done $0x0  }
0x11: {  	s5 =	simm.s32 $0x200;
	s1 =	rddreg [dreg:$0x5];
	[sflag:s9] =	ssyncadd.s32 $0xFFFFFE00  }
0x12: {  	[tilespmem:s5], [sflag:$0x2] =	stream.linear.gather [hbm4b:s1+s2], $0x200, $0x38;
	[tilespmem:$0x10400] =	vst v63  }
0x13: {  	_ =	swait.ge [sflag:s9], $0x200  }
0x14: {  	[sflag:s9] =	ssyncset.done $0x0  }
0x15: {  	[sflag:s9] =	ssyncadd.s32 $0xFFFFFE00  }
0x16: {  	v0 =	vld [tilespmem:s2+$0x0];
	_ =	sdelay $0x3  }
0x17: {  	v63 =	vld [tilespmem:s5+$0x0]  }
0x18: {  	v1 =	vshll.u32 v0, $0x4  }
0x19: {  	(v2sf) =	vpush v1, $0x0  }
0x1a: {  	(v2sf) =	vpush v1, $0x1  }
0x1b: {  	(v2sf) =	vpush v1, $0x2  }
0x1c: {  	v0 =	vshll.u32 v63, $0x4  }
0x1d: {  	(v2sf) =	vpush v0, $0x0;
	_ =	sdelay $0x6  }
0x1e: {  	(v2sf) =	vpush v0, $0x1;
	_ =	sdelay $0x3  }
0x1f: {  	s6 =	spop (v2sf)  }
0x20: {  	s0 =	sand.u32 $0x1FFFFFF0, s6;
	s7 =	spop (v2sf)  }
0x21: {  	s14 =	simm.s32 $0x400;
	s0 =	sadd.s32 s3, s0;
	s15 =	spop (v2sf)  }
0x22: {  	[tilespmem:s14], [sflag:$0x1] =	stream.strided.gather [hbm4b:s0+s10], $0x0, s11, s10, $0x38;
	[tilespmem:$0x10400] =	vst v63  }
0x23: {  	(v2sf) =	vpush v0, $0x2;
	s8 =	spop (v2sf)  }
0x24: {  	[tilespmem:s14], [sflag:$0x1] =	stream.linear.gather [hbm4b:s0+s2], $0x40, $0x38;
	[tilespmem:$0x10400] =	vst v63  }
0x25: {  	s0 =	sand.u32 $0x1FFFFFF0, s8  }
0x26: {  	s12 =	simm.s32 $0x440;
	s0 =	sadd.s32 s4, s0  }
0x27: {  	(v2sf) =	vpush v1, $0x3;
	[tilespmem:s12], [sflag:$0x1] =	stream.strided.gather [hbm4b:s0+s10], $0x0, s11, s10, $0x38;
	[tilespmem:$0x10400] =	vst v63  }
0x28: {  	s1 =	sand.u32 $0x1FFFFFF0, s7  }
0x29: {  	[tilespmem:s12], [sflag:$0x1] =	stream.linear.gather [hbm4b:s0+s2], $0x40, $0x38;
	[tilespmem:$0x10400] =	vst v63  }
0x2a: {  	s17 =	simm.s32 $0x480;
	s1 =	sadd.s32 s3, s1;
	s16 =	spop (v2sf)  }
0x2b: {  	(v2sf) =	vpush v0, $0x3;
	[tilespmem:s17], [sflag:$0x1] =	stream.strided.gather [hbm4b:s1+s10], $0x0, s11, s10, $0x38;
	[tilespmem:$0x10400] =	vst v63  }
0x2c: {  	s0 =	sand.u32 $0x1FFFFFF0, s16  }
0x2d: {  	[tilespmem:s17], [sflag:$0x1] =	stream.linear.gather [hbm4b:s1+s2], $0x40, $0x38;
	[tilespmem:$0x10400] =	vst v63  }
0x2e: {  	s18 =	simm.s32 $0x4C0;
	s0 =	sadd.s32 s4, s0  }
0x2f: {  	(v2sf) =	vpush v1, $0x4;
	[tilespmem:s18], [sflag:$0x1] =	stream.strided.gather [hbm4b:s0+s10], $0x0, s11, s10, $0x38;
	[tilespmem:$0x10400] =	vst v63  }
0x30: {  	s19 =	sand.u32 $0x1FFFFFF0, s15  }
0x31: {  	[tilespmem:s18], [sflag:$0x1] =	stream.linear.gather [hbm4b:s0+s2], $0x40, $0x38;
	[tilespmem:$0x10400] =	vst v63  }
0x32: {  	s21 =	simm.s32 $0x500;
	s14 =	sadd.s32 s3, s19;
	s20 =	spop (v2sf)  }
0x33: {  	(v2sf) =	vpush v0, $0x4;
	[tilespmem:s21], [sflag:$0x1] =	stream.strided.gather [hbm4b:s14+s10], $0x0, s11, s10, $0x38;
	[tilespmem:$0x10400] =	vst v63  }
0x34: {  	s0 =	sand.u32 $0x1FFFFFF0, s20  }
0x35: {  	[tilespmem:s21], [sflag:$0x1] =	stream.linear.gather [hbm4b:s14+s2], $0x40, $0x38;
	[tilespmem:$0x10400] =	vst v63  }
0x36: {  	s23 =	simm.s32 $0x540;
	s22 =	spop (v2sf);
	s0 =	sadd.s32 s4, s0  }
0x37: {  	(v2sf) =	vpush v1, $0x5;
	[tilespmem:s23], [sflag:$0x1] =	stream.strided.gather [hbm4b:s0+s10], $0x0, s11, s10, $0x38;
	[tilespmem:$0x10400] =	vst v63  }
0x38: {  	s1 =	sand.u32 $0x1FFFFFF0, s22  }
0x39: {  	[tilespmem:s23], [sflag:$0x1] =	stream.linear.gather [hbm4b:s0+s2], $0x40, $0x38;
	[tilespmem:$0x10400] =	vst v63  }
0x3a: {  	s25 =	simm.s32 $0x580;
	s24 =	spop (v2sf);
	s1 =	sadd.s32 s3, s1  }
0x3b: {  	(v2sf) =	vpush v0, $0x5;
	[tilespmem:s25], [sflag:$0x1] =	stream.strided.gather [hbm4b:s1+s10], $0x0, s11, s10, $0x38;
	[tilespmem:$0x10400] =	vst v63  }
0x3c: {  	s0 =	sand.u32 $0x1FFFFFF0, s24  }
0x3d: {  	[tilespmem:s25], [sflag:$0x1] =	stream.linear.gather [hbm4b:s1+s2], $0x40, $0x38;
	[tilespmem:$0x10400] =	vst v63  }
0x3e: {  	s28 =	simm.s32 $0x5C0;
	s26 =	spop (v2sf);
	s0 =	sadd.s32 s4, s0  }
0x3f: {  	(v2sf) =	vpush v1, $0x6;
	[tilespmem:s28], [sflag:$0x1] =	stream.strided.gather [hbm4b:s0+s10], $0x0, s11, s10, $0x38;
	[tilespmem:$0x10400] =	vst v63  }
0x40: {  	s1 =	sand.u32 $0x1FFFFFF0, s26  }
0x41: {  	[tilespmem:s28], [sflag:$0x1] =	stream.linear.gather [hbm4b:s0+s2], $0x40, $0x38;
	[tilespmem:$0x10400] =	vst v63  }
0x42: {  	s30 =	simm.s32 $0x600;
	s29 =	spop (v2sf);
	s1 =	sadd.s32 s3, s1  }
0x43: {  	(v2sf) =	vpush v0, $0x6;
	[tilespmem:s30], [sflag:$0x1] =	stream.strided.gather [hbm4b:s1+s10], $0x0, s11, s10, $0x38;
	[tilespmem:$0x10400] =	vst v63  }
0x44: {  	s0 =	sand.u32 $0x1FFFFFF0, s29  }
0x45: {  	[tilespmem:s30], [sflag:$0x1] =	stream.linear.gather [hbm4b:s1+s2], $0x40, $0x38;
	[tilespmem:$0x10400] =	vst v63  }
0x46: {  	s5 =	simm.s32 $0x640;
	s31 =	spop (v2sf);
	s0 =	sadd.s32 s4, s0  }
0x47: {  	(v2sf) =	vpush v1, $0x7;
	[tilespmem:s5], [sflag:$0x1] =	stream.strided.gather [hbm4b:s0+s10], $0x0, s11, s10, $0x38;
	[tilespmem:$0x10400] =	vst v63  }
0x48: {  	s1 =	sand.u32 $0x1FFFFFF0, s31  }
0x49: {  	[tilespmem:s5], [sflag:$0x1] =	stream.linear.gather [hbm4b:s0+s2], $0x40, $0x38;
	[tilespmem:$0x10400] =	vst v63  }
0x4a: {  	s7 =	simm.s32 $0x680;
	s6 =	spop (v2sf);
	s1 =	sadd.s32 s3, s1  }
0x4b: {  	(v2sf) =	vpush v0, $0x7;
	[tilespmem:s7], [sflag:$0x1] =	stream.strided.gather [hbm4b:s1+s10], $0x0, s11, s10, $0x38;
	[tilespmem:$0x10400] =	vst v63  }
0x4c: {  	s0 =	sand.u32 $0x1FFFFFF0, s6  }
0x4d: {  	[tilespmem:s7], [sflag:$0x1] =	stream.linear.gather [hbm4b:s1+s2], $0x40, $0x38;
	[tilespmem:$0x10400] =	vst v63  }
0x4e: {  	s12 =	simm.s32 $0x6C0;
	s8 =	spop (v2sf);
	s0 =	sadd.s32 s4, s0  }
0x4f: {  	(v2sf) =	vpush v1, $0x8;
	[tilespmem:s12], [sflag:$0x1] =	stream.strided.gather [hbm4b:s0+s10], $0x0, s11, s10, $0x38;
	[tilespmem:$0x10400] =	vst v63  }
0x50: {  	s1 =	sand.u32 $0x1FFFFFF0, s8  }
0x51: {  	[tilespmem:s12], [sflag:$0x1] =	stream.linear.gather [hbm4b:s0+s2], $0x40, $0x38;
	[tilespmem:$0x10400] =	vst v63  }
0x52: {  	s15 =	simm.s32 $0x700;
	s14 =	spop (v2sf);
	s1 =	sadd.s32 s3, s1  }
0x53: {  	(v2sf) =	vpush v0, $0x8;
	[tilespmem:s15], [sflag:$0x1] =	stream.strided.gather [hbm4b:s1+s10], $0x0, s11, s10, $0x38;
	[tilespmem:$0x10400] =	vst v63  }
0x54: {  	s0 =	sand.u32 $0x1FFFFFF0, s14  }
0x55: {  	[tilespmem:s15], [sflag:$0x1] =	stream.linear.gather [hbm4b:s1+s2], $0x40, $0x38;
	[tilespmem:$0x10400] =	vst v63  }
0x56: {  	s17 =	simm.s32 $0x740;
	s16 =	spop (v2sf);
	s0 =	sadd.s32 s4, s0  }
0x57: {  	(v2sf) =	vpush v1, $0x9;
	[tilespmem:s17], [sflag:$0x1] =	stream.strided.gather [hbm4b:s0+s10], $0x0, s11, s10, $0x38;
	[tilespmem:$0x10400] =	vst v63  }
0x58: {  	s1 =	sand.u32 $0x1FFFFFF0, s16  }
0x59: {  	[tilespmem:s17], [sflag:$0x1] =	stream.linear.gather [hbm4b:s0+s2], $0x40, $0x38;
	[tilespmem:$0x10400] =	vst v63  }
0x5a: {  	s19 =	simm.s32 $0x780;
	s18 =	spop (v2sf);
	s1 =	sadd.s32 s3, s1  }
0x5b: {  	(v2sf) =	vpush v0, $0x9;
	[tilespmem:s19], [sflag:$0x1] =	stream.strided.gather [hbm4b:s1+s10], $0x0, s11, s10, $0x38;
	[tilespmem:$0x10400] =	vst v63  }
0x5c: {  	s0 =	sand.u32 $0x1FFFFFF0, s18  }
0x5d: {  	[tilespmem:s19], [sflag:$0x1] =	stream.linear.gather [hbm4b:s1+s2], $0x40, $0x38;
	[tilespmem:$0x10400] =	vst v63  }
0x5e: {  	s21 =	simm.s32 $0x7C0;
	s20 =	spop (v2sf);
	s0 =	sadd.s32 s4, s0  }
0x5f: {  	(v2sf) =	vpush v1, $0xA;
	[tilespmem:s21], [sflag:$0x1] =	stream.strided.gather [hbm4b:s0+s10], $0x0, s11, s10, $0x38;
	[tilespmem:$0x10400] =	vst v63  }
0x60: {  	s1 =	sand.u32 $0x1FFFFFF0, s20  }
0x61: {  	[tilespmem:s21], [sflag:$0x1] =	stream.linear.gather [hbm4b:s0+s2], $0x40, $0x38;
	[tilespmem:$0x10400] =	vst v63  }
0x62: {  	s23 =	simm.s32 $0x800;
	s22 =	spop (v2sf);
	s1 =	sadd.s32 s3, s1  }
0x63: {  	(v2sf) =	vpush v0, $0xA;
	[tilespmem:s23], [sflag:$0x1] =	stream.strided.gather [hbm4b:s1+s10], $0x0, s11, s10, $0x38;
	[tilespmem:$0x10400] =	vst v63  }
0x64: {  	s0 =	sand.u32 $0x1FFFFFF0, s22  }
0x65: {  	[tilespmem:s23], [sflag:$0x1] =	stream.linear.gather [hbm4b:s1+s2], $0x40, $0x38;
	[tilespmem:$0x10400] =	vst v63  }
0x66: {  	s25 =	simm.s32 $0x840;
	s24 =	spop (v2sf);
	s0 =	sadd.s32 s4, s0  }
0x67: {  	(v2sf) =	vpush v1, $0xB;
	[tilespmem:s25], [sflag:$0x1] =	stream.strided.gather [hbm4b:s0+s10], $0x0, s11, s10, $0x38;
	[tilespmem:$0x10400] =	vst v63  }
0x68: {  	s1 =	sand.u32 $0x1FFFFFF0, s24  }
0x69: {  	[tilespmem:s25], [sflag:$0x1] =	stream.linear.gather [hbm4b:s0+s2], $0x40, $0x38;
	[tilespmem:$0x10400] =	vst v63  }
0x6a: {  	s28 =	simm.s32 $0x880;
	s26 =	spop (v2sf);
	s1 =	sadd.s32 s3, s1  }
0x6b: {  	(v2sf) =	vpush v0, $0xB;
	[tilespmem:s28], [sflag:$0x1] =	stream.strided.gather [hbm4b:s1+s10], $0x0, s11, s10, $0x38;
	[tilespmem:$0x10400] =	vst v63  }
0x6c: {  	s0 =	sand.u32 $0x1FFFFFF0, s26  }
0x6d: {  	[tilespmem:s28], [sflag:$0x1] =	stream.linear.gather [hbm4b:s1+s2], $0x40, $0x38;
	[tilespmem:$0x10400] =	vst v63  }
0x6e: {  	s30 =	simm.s32 $0x8C0;
	s29 =	spop (v2sf);
	s0 =	sadd.s32 s4, s0  }
0x6f: {  	(v2sf) =	vpush v1, $0xC;
	[tilespmem:s30], [sflag:$0x1] =	stream.strided.gather [hbm4b:s0+s10], $0x0, s11, s10, $0x38;
	[tilespmem:$0x10400] =	vst v63  }
0x70: {  	s1 =	sand.u32 $0x1FFFFFF0, s29  }
0x71: {  	[tilespmem:s30], [sflag:$0x1] =	stream.linear.gather [hbm4b:s0+s2], $0x40, $0x38;
	[tilespmem:$0x10400] =	vst v63  }
0x72: {  	s5 =	simm.s32 $0x900;
	s31 =	spop (v2sf);
	s1 =	sadd.s32 s3, s1  }
0x73: {  	(v2sf) =	vpush v0, $0xC;
	[tilespmem:s5], [sflag:$0x1] =	stream.strided.gather [hbm4b:s1+s10], $0x0, s11, s10, $0x38;
	[tilespmem:$0x10400] =	vst v63  }
0x74: {  	s0 =	sand.u32 $0x1FFFFFF0, s31  }
0x75: {  	[tilespmem:s5], [sflag:$0x1] =	stream.linear.gather [hbm4b:s1+s2], $0x40, $0x38;
	[tilespmem:$0x10400] =	vst v63  }
0x76: {  	s7 =	simm.s32 $0x940;
	s6 =	spop (v2sf);
	s0 =	sadd.s32 s4, s0  }
0x77: {  	(v2sf) =	vpush v1, $0xD;
	[tilespmem:s7], [sflag:$0x1] =	stream.strided.gather [hbm4b:s0+s10], $0x0, s11, s10, $0x38;
	[tilespmem:$0x10400] =	vst v63  }
0x78: {  	s1 =	sand.u32 $0x1FFFFFF0, s6  }
0x79: {  	[tilespmem:s7], [sflag:$0x1] =	stream.linear.gather [hbm4b:s0+s2], $0x40, $0x38;
	[tilespmem:$0x10400] =	vst v63  }
0x7a: {  	s12 =	simm.s32 $0x980;
	s8 =	spop (v2sf);
	s1 =	sadd.s32 s3, s1  }
0x7b: {  	(v2sf) =	vpush v0, $0xD;
	[tilespmem:s12], [sflag:$0x1] =	stream.strided.gather [hbm4b:s1+s10], $0x0, s11, s10, $0x38;
	[tilespmem:$0x10400] =	vst v63  }
0x7c: {  	s0 =	sand.u32 $0x1FFFFFF0, s8  }
0x7d: {  	[tilespmem:s12], [sflag:$0x1] =	stream.linear.gather [hbm4b:s1+s2], $0x40, $0x38;
	[tilespmem:$0x10400] =	vst v63  }
0x7e: {  	s15 =	simm.s32 $0x9C0;
	s14 =	spop (v2sf);
	s0 =	sadd.s32 s4, s0  }
0x7f: {  	(v2sf) =	vpush v1, $0xE;
	[tilespmem:s15], [sflag:$0x1] =	stream.strided.gather [hbm4b:s0+s10], $0x0, s11, s10, $0x38;
	[tilespmem:$0x10400] =	vst v63  }
0x80: {  	s1 =	sand.u32 $0x1FFFFFF0, s14  }
0x81: {  	[tilespmem:s15], [sflag:$0x1] =	stream.linear.gather [hbm4b:s0+s2], $0x40, $0x38;
	[tilespmem:$0x10400] =	vst v63  }
0x82: {  	s17 =	simm.s32 $0xA00;
	s16 =	spop (v2sf);
	s1 =	sadd.s32 s3, s1  }
0x83: {  	(v2sf) =	vpush v0, $0xE;
	[tilespmem:s17], [sflag:$0x1] =	stream.strided.gather [hbm4b:s1+s10], $0x0, s11, s10, $0x38;
	[tilespmem:$0x10400] =	vst v63  }
0x84: {  	s0 =	sand.u32 $0x1FFFFFF0, s16  }
0x85: {  	[tilespmem:s17], [sflag:$0x1] =	stream.linear.gather [hbm4b:s1+s2], $0x40, $0x38;
	[tilespmem:$0x10400] =	vst v63  }
0x86: {  	s19 =	simm.s32 $0xA40;
	s18 =	spop (v2sf);
	s0 =	sadd.s32 s4, s0  }
0x87: {  	(v2sf) =	vpush v1, $0xF;
	[tilespmem:s19], [sflag:$0x1] =	stream.strided.gather [hbm4b:s0+s10], $0x0, s11, s10, $0x38;
	[tilespmem:$0x10400] =	vst v63  }
0x88: {  	s1 =	sand.u32 $0x1FFFFFF0, s18  }
0x89: {  	[tilespmem:s19], [sflag:$0x1] =	stream.linear.gather [hbm4b:s0+s2], $0x40, $0x38;
	[tilespmem:$0x10400] =	vst v63  }
0x8a: {  	s21 =	simm.s32 $0xA80;
	s20 =	spop (v2sf);
	s1 =	sadd.s32 s3, s1  }
0x8b: {  	(v2sf) =	vpush v0, $0xF;
	[tilespmem:s21], [sflag:$0x1] =	stream.strided.gather [hbm4b:s1+s10], $0x0, s11, s10, $0x38;
	[tilespmem:$0x10400] =	vst v63  }
0x8c: {  	s0 =	sand.u32 $0x1FFFFFF0, s20  }
0x8d: {  	[tilespmem:s21], [sflag:$0x1] =	stream.linear.gather [hbm4b:s1+s2], $0x40, $0x38;
	[tilespmem:$0x10400] =	vst v63  }
0x8e: {  	s23 =	simm.s32 $0xAC0;
	s22 =	spop (v2sf);
	s0 =	sadd.s32 s4, s0  }
0x8f: {  	[tilespmem:s23], [sflag:$0x1] =	stream.strided.gather [hbm4b:s0+s10], $0x0, s11, s10, $0x38;
	[tilespmem:$0x10400] =	vst v63  }
0x90: {  	s1 =	sand.u32 $0x1FFFFFF0, s22  }
0x91: {  	[tilespmem:s23], [sflag:$0x1] =	stream.linear.gather [hbm4b:s0+s2], $0x40, $0x38;
	[tilespmem:$0x10400] =	vst v63  }
0x92: {  	s25 =	simm.s32 $0xB00;
	s24 =	spop (v2sf);
	s1 =	sadd.s32 s3, s1  }
0x93: {  	[tilespmem:s25], [sflag:$0x1] =	stream.strided.gather [hbm4b:s1+s10], $0x0, s11, s10, $0x38;
	[tilespmem:$0x10400] =	vst v63  }
0x94: {  	s0 =	sand.u32 $0x1FFFFFF0, s24  }
0x95: {  	[tilespmem:s25], [sflag:$0x1] =	stream.linear.gather [hbm4b:s1+s2], $0x40, $0x38;
	[tilespmem:$0x10400] =	vst v63  }
0x96: {  	s28 =	simm.s32 $0xB40;
	s26 =	spop (v2sf);
	s0 =	sadd.s32 s4, s0  }
0x97: {  	[tilespmem:s28], [sflag:$0x1] =	stream.strided.gather [hbm4b:s0+s10], $0x0, s11, s10, $0x38;
	[tilespmem:$0x10400] =	vst v63  }
0x98: {  	s1 =	sand.u32 $0x1FFFFFF0, s26  }
0x99: {  	[tilespmem:s28], [sflag:$0x1] =	stream.linear.gather [hbm4b:s0+s2], $0x40, $0x38;
	[tilespmem:$0x10400] =	vst v63  }
0x9a: {  	s30 =	simm.s32 $0xB80;
	s29 =	spop (v2sf);
	s1 =	sadd.s32 s3, s1  }
0x9b: {  	[tilespmem:s30], [sflag:$0x1] =	stream.strided.gather [hbm4b:s1+s10], $0x0, s11, s10, $0x38;
	[tilespmem:$0x10400] =	vst v63  }
0x9c: {  	s0 =	sand.u32 $0x1FFFFFF0, s29  }
0x9d: {  	[tilespmem:s30], [sflag:$0x1] =	stream.linear.gather [hbm4b:s1+s2], $0x40, $0x38;
	[tilespmem:$0x10400] =	vst v63  }
0x9e: {  	s31 =	simm.s32 $0xBC0;
	s0 =	sadd.s32 s4, s0  }
0x9f: {  	[tilespmem:s31], [sflag:$0x1] =	stream.strided.gather [hbm4b:s0+s10], $0x0, s11, s10, $0x38;
	[tilespmem:$0x10400] =	vst v63  }
0xa0: {  	p1 =	por $0x1, $0x1  }
0xa1: {  	[tilespmem:s31], [sflag:$0x1] =	stream.linear.gather [hbm4b:s0+s2], $0x40, $0x38;
	[tilespmem:$0x10400] =	vst v63  }
0xa2: {  	s14 =	simm.s32 $0x2000;
	s0 =	simm.s32 @!p1 $0x1  }
0xa3: {  	s15 =	simm.s32 $0x210;
	s16 =	simm.s32 $0x0;
	_ =	swait.ge @!p1 [sflag:s0], $0x800  }
.LBB2_2:
0xa4: {  	[sflag:s0] =	ssyncset.done @!p1 $0x0  }
0xa5: {  	s16 =	sadd.s32 $0x10, s16;
	s17 =	smov.u32 s14;
	s14 =	sadd.s32 $0x2000, s14  }
0xa6: {  	p0 =	sne.s32 s14, $0x40000;
	[sflag:s0] =	ssyncadd.s32 @!p1 $0xFFFFF800  }
0xa7: {  	v0 =	vld [tilespmem:s16+$0x0];
	_ =	sdelay $0x3  }
0xa8: {  	v1 =	vld [tilespmem:s15+$0x0]  }
0xa9: {  	v0 =	vshll.u32 v0, $0x4  }
0xaa: {  	(v2sf) =	vpush v0, $0x0  }
0xab: {  	(v2sf) =	vpush v0, $0x1  }
0xac: {  	(v2sf) =	vpush v0, $0x2  }
0xad: {  	v1 =	vshll.u32 v1, $0x4  }
0xae: {  	(v2sf) =	vpush v1, $0x0;
	_ =	sdelay $0x1  }
0xaf: {  	(v2sf) =	vpush v1, $0x1  }
0xb0: {  	(v2sf) =	vpush v1, $0x2;
	_ =	sdelay $0x3  }
0xb1: {  	(v2sf) =	vpush v0, $0x3;
	_ =	sdelay $0x3  }
0xb2: {  	s0 =	spop (v2sf);
	(v2sf) =	vpush v1, $0x3  }
0xb3: {  	s18 =	sshra.s32 s17, $0x2;
	s0 =	sand.u32 $0x1FFFFFF0, s0;
	s1 =	spop (v2sf)  }
0xb4: {  	s19 =	sadd.s32 $0x400, s18;
	s0 =	sadd.s32 s3, s0;
	s20 =	spop (v2sf)  }
0xb5: {  	[tilespmem:s19], [sflag:$0x1] =	stream.strided.gather [hbm4b:s0+s10], $0x0, s11, s10, $0x38;
	[tilespmem:$0x10400] =	vst v63  }
0xb6: {  	s1 =	sand.u32 $0x1FFFFFF0, s1;
	s20 =	sand.u32 $0x1FFFFFF0, s20;
	s21 =	spop (v2sf);
	(v2sf) =	vpush v0, $0x4  }
0xb7: {  	[tilespmem:s19], [sflag:$0x1] =	stream.linear.gather [hbm4b:s0+s2], $0x40, $0x38;
	[tilespmem:$0x10400] =	vst v63  }
0xb8: {  	s0 =	sadd.s32 $0x440, s18;
	s19 =	sand.u32 $0x1FFFFFF0, s21;
	s21 =	spop (v2sf);
	(v2sf) =	vpush v1, $0x4  }
0xb9: {  	s19 =	sadd.s32 s4, s19;
	s21 =	sand.u32 $0x1FFFFFF0, s21;
	s22 =	spop (v2sf)  }
0xba: {  	[tilespmem:s0], [sflag:$0x1] =	stream.strided.gather [hbm4b:s19+s10], $0x0, s11, s10, $0x38;
	(v2sf) =	vpush v0, $0x5;
	[tilespmem:$0x10400] =	vst v63  }
0xbb: {  	s23 =	sadd.s32 $0x480, s18;
	s1 =	sadd.s32 s3, s1;
	s22 =	sand.u32 $0x1FFFFFF0, s22  }
0xbc: {  	[tilespmem:s0], [sflag:$0x1] =	stream.linear.gather [hbm4b:s19+s2], $0x40, $0x38;
	(v2sf) =	vpush v1, $0x5;
	[tilespmem:$0x10400] =	vst v63  }
0xbd: {  	s0 =	spop (v2sf)  }
0xbe: {  	[tilespmem:s23], [sflag:$0x1] =	stream.strided.gather [hbm4b:s1+s10], $0x0, s11, s10, $0x38;
	(v2sf) =	vpush v0, $0x6;
	[tilespmem:$0x10400] =	vst v63  }
0xbf: {  	s21 =	sadd.s32 s4, s21;
	s19 =	sadd.s32 $0x4C0, s18;
	s0 =	sand.u32 $0x1FFFFFF0, s0  }
0xc0: {  	[tilespmem:s23], [sflag:$0x1] =	stream.linear.gather [hbm4b:s1+s2], $0x40, $0x38;
	(v2sf) =	vpush v1, $0x6;
	[tilespmem:$0x10400] =	vst v63  }
0xc1: {  	s1 =	spop (v2sf)  }
0xc2: {  	[tilespmem:s19], [sflag:$0x1] =	stream.strided.gather [hbm4b:s21+s10], $0x0, s11, s10, $0x38;
	(v2sf) =	vpush v0, $0x7;
	[tilespmem:$0x10400] =	vst v63  }
0xc3: {  	s20 =	sadd.s32 s3, s20;
	s23 =	sadd.s32 $0x500, s18;
	s1 =	sand.u32 $0x1FFFFFF0, s1  }
0xc4: {  	[tilespmem:s19], [sflag:$0x1] =	stream.linear.gather [hbm4b:s21+s2], $0x40, $0x38;
	(v2sf) =	vpush v1, $0x7;
	[tilespmem:$0x10400] =	vst v63  }
0xc5: {  	s19 =	spop (v2sf)  }
0xc6: {  	[tilespmem:s23], [sflag:$0x1] =	stream.strided.gather [hbm4b:s20+s10], $0x0, s11, s10, $0x38;
	(v2sf) =	vpush v0, $0x8;
	[tilespmem:$0x10400] =	vst v63  }
0xc7: {  	s22 =	sadd.s32 s4, s22;
	s21 =	sadd.s32 $0x540, s18;
	s24 =	spop (v2sf)  }
0xc8: {  	[tilespmem:s23], [sflag:$0x1] =	stream.linear.gather [hbm4b:s20+s2], $0x40, $0x38;
	(v2sf) =	vpush v1, $0x8;
	[tilespmem:$0x10400] =	vst v63  }
0xc9: {  	s19 =	sand.u32 $0x1FFFFFF0, s19;
	s25 =	sand.u32 $0x1FFFFFF0, s24;
	s20 =	spop (v2sf)  }
0xca: {  	[tilespmem:s21], [sflag:$0x1] =	stream.strided.gather [hbm4b:s22+s10], $0x0, s11, s10, $0x38;
	(v2sf) =	vpush v0, $0x9;
	[tilespmem:$0x10400] =	vst v63  }
0xcb: {  	s23 =	sadd.s32 $0x580, s18;
	s24 =	sadd.s32 s3, s0;
	s0 =	spop (v2sf)  }
0xcc: {  	[tilespmem:s21], [sflag:$0x1] =	stream.linear.gather [hbm4b:s22+s2], $0x40, $0x38;
	(v2sf) =	vpush v1, $0x9;
	[tilespmem:$0x10400] =	vst v63  }
0xcd: {  	s26 =	sand.u32 $0x1FFFFFF0, s20;
	s0 =	sand.u32 $0x1FFFFFF0, s0;
	s20 =	spop (v2sf)  }
0xce: {  	[tilespmem:s23], [sflag:$0x1] =	stream.strided.gather [hbm4b:s24+s10], $0x0, s11, s10, $0x38;
	(v2sf) =	vpush v0, $0xA;
	[tilespmem:$0x10400] =	vst v63  }
0xcf: {  	s1 =	sadd.s32 s4, s1;
	s22 =	sadd.s32 $0x5C0, s18;
	s21 =	spop (v2sf)  }
0xd0: {  	[tilespmem:s23], [sflag:$0x1] =	stream.linear.gather [hbm4b:s24+s2], $0x40, $0x38;
	(v2sf) =	vpush v1, $0xA;
	[tilespmem:$0x10400] =	vst v63  }
0xd1: {  	s24 =	sand.u32 $0x1FFFFFF0, s20;
	s21 =	sand.u32 $0x1FFFFFF0, s21;
	s20 =	spop (v2sf)  }
0xd2: {  	[tilespmem:s22], [sflag:$0x1] =	stream.strided.gather [hbm4b:s1+s10], $0x0, s11, s10, $0x38;
	(v2sf) =	vpush v0, $0xB;
	[tilespmem:$0x10400] =	vst v63  }
0xd3: {  	s28 =	sadd.s32 $0x600, s18;
	s19 =	sadd.s32 s3, s19;
	s29 =	spop (v2sf)  }
0xd4: {  	[tilespmem:s22], [sflag:$0x1] =	stream.linear.gather [hbm4b:s1+s2], $0x40, $0x38;
	(v2sf) =	vpush v1, $0xB;
	[tilespmem:$0x10400] =	vst v63  }
0xd5: {  	s23 =	sand.u32 $0x1FFFFFF0, s20;
	s20 =	sand.u32 $0x1FFFFFF0, s29;
	s1 =	spop (v2sf)  }
0xd6: {  	[tilespmem:s28], [sflag:$0x1] =	stream.strided.gather [hbm4b:s19+s10], $0x0, s11, s10, $0x38;
	(v2sf) =	vpush v0, $0xC;
	[tilespmem:$0x10400] =	vst v63  }
0xd7: {  	s25 =	sadd.s32 s4, s25;
	s29 =	sadd.s32 $0x640, s18;
	s30 =	spop (v2sf)  }
0xd8: {  	[tilespmem:s28], [sflag:$0x1] =	stream.linear.gather [hbm4b:s19+s2], $0x40, $0x38;
	(v2sf) =	vpush v1, $0xC;
	[tilespmem:$0x10400] =	vst v63  }
0xd9: {  	s22 =	sand.u32 $0x1FFFFFF0, s1;
	s19 =	sand.u32 $0x1FFFFFF0, s30;
	s1 =	spop (v2sf)  }
0xda: {  	[tilespmem:s29], [sflag:$0x1] =	stream.strided.gather [hbm4b:s25+s10], $0x0, s11, s10, $0x38;
	(v2sf) =	vpush v0, $0xD;
	[tilespmem:$0x10400] =	vst v63  }
0xdb: {  	s26 =	sadd.s32 s3, s26;
	s28 =	sadd.s32 $0x680, s18;
	s30 =	spop (v2sf)  }
0xdc: {  	[tilespmem:s29], [sflag:$0x1] =	stream.linear.gather [hbm4b:s25+s2], $0x40, $0x38;
	(v2sf) =	vpush v1, $0xD;
	[tilespmem:$0x10400] =	vst v63  }
0xdd: {  	s1 =	sand.u32 $0x1FFFFFF0, s1;
	s30 =	sand.u32 $0x1FFFFFF0, s30;
	s25 =	spop (v2sf)  }
0xde: {  	[tilespmem:s28], [sflag:$0x1] =	stream.strided.gather [hbm4b:s26+s10], $0x0, s11, s10, $0x38;
	(v2sf) =	vpush v0, $0xE;
	[tilespmem:$0x10400] =	vst v63  }
0xdf: {  	s31 =	sadd.s32 $0x6C0, s18;
	s5 =	sadd.s32 s4, s0;
	s29 =	spop (v2sf)  }
0xe0: {  	[tilespmem:s28], [sflag:$0x1] =	stream.linear.gather [hbm4b:s26+s2], $0x40, $0x38;
	[tilespmem:$0x10400] =	vst v63  }
0xe1: {  	s0 =	sand.u32 $0x1FFFFFF0, s25;
	s29 =	sand.u32 $0x1FFFFFF0, s29;
	s25 =	spop (v2sf)  }
0xe2: {  	[tilespmem:s31], [sflag:$0x1] =	stream.strided.gather [hbm4b:s5+s10], $0x0, s11, s10, $0x38;
	(v2sf) =	vpush v1, $0xE;
	[tilespmem:$0x10400] =	vst v63  }
0xe3: {  	s24 =	sadd.s32 s3, s24;
	s26 =	sadd.s32 $0x700, s18;
	s28 =	spop (v2sf)  }
0xe4: {  	[tilespmem:s31], [sflag:$0x1] =	stream.linear.gather [hbm4b:s5+s2], $0x40, $0x38;
	[tilespmem:$0x10400] =	vst v63  }
0xe5: {  	s31 =	sand.u32 $0x1FFFFFF0, s25;
	s28 =	sand.u32 $0x1FFFFFF0, s28;
	s25 =	spop (v2sf)  }
0xe6: {  	[tilespmem:s26], [sflag:$0x1] =	stream.strided.gather [hbm4b:s24+s10], $0x0, s11, s10, $0x38;
	(v2sf) =	vpush v0, $0xF;
	[tilespmem:$0x10400] =	vst v63  }
0xe7: {  	s21 =	sadd.s32 s4, s21;
	s5 =	sadd.s32 $0x740, s18;
	s6 =	spop (v2sf)  }
0xe8: {  	[tilespmem:s26], [sflag:$0x1] =	stream.linear.gather [hbm4b:s24+s2], $0x40, $0x38;
	(v2sf) =	vpush v1, $0xF;
	[tilespmem:$0x10400] =	vst v63  }
0xe9: {  	s24 =	sand.u32 $0x1FFFFFF0, s6;
	s6 =	spop (v2sf)  }
0xea: {  	[tilespmem:s5], [sflag:$0x1] =	stream.strided.gather [hbm4b:s21+s10], $0x0, s11, s10, $0x38;
	[tilespmem:$0x10400] =	vst v63  }
0xeb: {  	s7 =	sadd.s32 $0x780, s18;
	s23 =	sadd.s32 s3, s23;
	s8 =	spop (v2sf)  }
0xec: {  	[tilespmem:s5], [sflag:$0x1] =	stream.linear.gather [hbm4b:s21+s2], $0x40, $0x38;
	[tilespmem:$0x10400] =	vst v63  }
0xed: {  	s26 =	sand.u32 $0x1FFFFFF0, s6;
	s21 =	sand.u32 $0x1FFFFFF0, s8;
	s5 =	spop (v2sf)  }
0xee: {  	[tilespmem:s7], [sflag:$0x1] =	stream.strided.gather [hbm4b:s23+s10], $0x0, s11, s10, $0x38;
	[tilespmem:$0x10400] =	vst v63  }
0xef: {  	s6 =	sadd.s32 $0x7C0, s18;
	s8 =	sadd.s32 s4, s20;
	s20 =	sand.u32 $0x1FFFFFF0, s5  }
0xf0: {  	[tilespmem:s7], [sflag:$0x1] =	stream.linear.gather [hbm4b:s23+s2], $0x40, $0x38;
	[tilespmem:$0x10400] =	vst v63  }
0xf1: {  	s5 =	spop (v2sf)  }
0xf2: {  	[tilespmem:s6], [sflag:$0x1] =	stream.strided.gather [hbm4b:s8+s10], $0x0, s11, s10, $0x38;
	[tilespmem:$0x10400] =	vst v63  }
0xf3: {  	s12 =	sadd.s32 s3, s22;
	s7 =	sadd.s32 $0x800, s18;
	s22 =	sand.u32 $0x1FFFFFF0, s5  }
0xf4: {  	[tilespmem:s6], [sflag:$0x1] =	stream.linear.gather [hbm4b:s8+s2], $0x40, $0x38;
	[tilespmem:$0x10400] =	vst v63  }
0xf5: {  	s23 =	spop (v2sf)  }
0xf6: {  	[tilespmem:s7], [sflag:$0x1] =	stream.strided.gather [hbm4b:s12+s10], $0x0, s11, s10, $0x38;
	[tilespmem:$0x10400] =	vst v63  }
0xf7: {  	s5 =	sadd.s32 $0x840, s18;
	s6 =	sadd.s32 s4, s19;
	s19 =	spop (v2sf)  }
0xf8: {  	[tilespmem:s7], [sflag:$0x1] =	stream.linear.gather [hbm4b:s12+s2], $0x40, $0x38;
	[tilespmem:$0x10400] =	vst v63  }
0xf9: {  	_ = 	snop  }
0xfa: {  	[tilespmem:s5], [sflag:$0x1] =	stream.strided.gather [hbm4b:s6+s10], $0x0, s11, s10, $0x38;
	[tilespmem:$0x10400] =	vst v63  }
0xfb: {  	s1 =	sadd.s32 s3, s1;
	s7 =	sadd.s32 $0x880, s18  }
0xfc: {  	[tilespmem:s5], [sflag:$0x1] =	stream.linear.gather [hbm4b:s6+s2], $0x40, $0x38;
	[tilespmem:$0x10400] =	vst v63  }
0xfd: {  	_ = 	snop  }
0xfe: {  	[tilespmem:s7], [sflag:$0x1] =	stream.strided.gather [hbm4b:s1+s10], $0x0, s11, s10, $0x38;
	[tilespmem:$0x10400] =	vst v63  }
0xff: {  	s5 =	sadd.s32 $0x8C0, s18;
	s6 =	sadd.s32 s4, s30  }
0x100: {  	[tilespmem:s7], [sflag:$0x1] =	stream.linear.gather [hbm4b:s1+s2], $0x40, $0x38;
	[tilespmem:$0x10400] =	vst v63  }
0x101: {  	_ = 	snop  }
0x102: {  	[tilespmem:s5], [sflag:$0x1] =	stream.strided.gather [hbm4b:s6+s10], $0x0, s11, s10, $0x38;
	[tilespmem:$0x10400] =	vst v63  }
0x103: {  	s0 =	sadd.s32 s3, s0;
	s1 =	sadd.s32 $0x900, s18  }
0x104: {  	[tilespmem:s5], [sflag:$0x1] =	stream.linear.gather [hbm4b:s6+s2], $0x40, $0x38;
	[tilespmem:$0x10400] =	vst v63  }
0x105: {  	_ = 	snop  }
0x106: {  	[tilespmem:s1], [sflag:$0x1] =	stream.strided.gather [hbm4b:s0+s10], $0x0, s11, s10, $0x38;
	[tilespmem:$0x10400] =	vst v63  }
0x107: {  	s5 =	sadd.s32 $0x940, s18;
	s6 =	sadd.s32 s4, s29  }
0x108: {  	[tilespmem:s1], [sflag:$0x1] =	stream.linear.gather [hbm4b:s0+s2], $0x40, $0x38;
	[tilespmem:$0x10400] =	vst v63  }
0x109: {  	_ = 	snop  }
0x10a: {  	[tilespmem:s5], [sflag:$0x1] =	stream.strided.gather [hbm4b:s6+s10], $0x0, s11, s10, $0x38;
	[tilespmem:$0x10400] =	vst v63  }
0x10b: {  	s0 =	sadd.s32 $0x980, s18;
	s1 =	sadd.s32 s3, s31  }
0x10c: {  	[tilespmem:s5], [sflag:$0x1] =	stream.linear.gather [hbm4b:s6+s2], $0x40, $0x38;
	[tilespmem:$0x10400] =	vst v63  }
0x10d: {  	_ = 	snop  }
0x10e: {  	[tilespmem:s0], [sflag:$0x1] =	stream.strided.gather [hbm4b:s1+s10], $0x0, s11, s10, $0x38;
	[tilespmem:$0x10400] =	vst v63  }
0x10f: {  	s5 =	sadd.s32 $0x9C0, s18;
	s6 =	sadd.s32 s4, s28  }
0x110: {  	[tilespmem:s0], [sflag:$0x1] =	stream.linear.gather [hbm4b:s1+s2], $0x40, $0x38;
	[tilespmem:$0x10400] =	vst v63  }
0x111: {  	s0 =	sand.u32 $0x1FFFFFF0, s25  }
0x112: {  	[tilespmem:s5], [sflag:$0x1] =	stream.strided.gather [hbm4b:s6+s10], $0x0, s11, s10, $0x38;
	[tilespmem:$0x10400] =	vst v63  }
0x113: {  	s1 =	sadd.s32 $0xA00, s18;
	s0 =	sadd.s32 s3, s0  }
0x114: {  	[tilespmem:s5], [sflag:$0x1] =	stream.linear.gather [hbm4b:s6+s2], $0x40, $0x38;
	[tilespmem:$0x10400] =	vst v63  }
0x115: {  	_ = 	snop  }
0x116: {  	[tilespmem:s1], [sflag:$0x1] =	stream.strided.gather [hbm4b:s0+s10], $0x0, s11, s10, $0x38;
	[tilespmem:$0x10400] =	vst v63  }
0x117: {  	s5 =	sadd.s32 $0xA40, s18;
	s6 =	sadd.s32 s4, s24  }
0x118: {  	[tilespmem:s1], [sflag:$0x1] =	stream.linear.gather [hbm4b:s0+s2], $0x40, $0x38;
	[tilespmem:$0x10400] =	vst v63  }
0x119: {  	_ = 	snop  }
0x11a: {  	[tilespmem:s5], [sflag:$0x1] =	stream.strided.gather [hbm4b:s6+s10], $0x0, s11, s10, $0x38;
	[tilespmem:$0x10400] =	vst v63  }
0x11b: {  	s0 =	sadd.s32 $0xA80, s18;
	s1 =	sadd.s32 s3, s26  }
0x11c: {  	[tilespmem:s5], [sflag:$0x1] =	stream.linear.gather [hbm4b:s6+s2], $0x40, $0x38;
	[tilespmem:$0x10400] =	vst v63  }
0x11d: {  	_ = 	snop  }
0x11e: {  	[tilespmem:s0], [sflag:$0x1] =	stream.strided.gather [hbm4b:s1+s10], $0x0, s11, s10, $0x38;
	[tilespmem:$0x10400] =	vst v63  }
0x11f: {  	s5 =	sadd.s32 $0xAC0, s18;
	s6 =	sadd.s32 s4, s21  }
0x120: {  	[tilespmem:s0], [sflag:$0x1] =	stream.linear.gather [hbm4b:s1+s2], $0x40, $0x38;
	[tilespmem:$0x10400] =	vst v63  }
0x121: {  	_ = 	snop  }
0x122: {  	[tilespmem:s5], [sflag:$0x1] =	stream.strided.gather [hbm4b:s6+s10], $0x0, s11, s10, $0x38;
	[tilespmem:$0x10400] =	vst v63  }
0x123: {  	s0 =	sadd.s32 $0xB00, s18;
	s1 =	sadd.s32 s3, s20  }
0x124: {  	[tilespmem:s5], [sflag:$0x1] =	stream.linear.gather [hbm4b:s6+s2], $0x40, $0x38;
	[tilespmem:$0x10400] =	vst v63  }
0x125: {  	_ = 	snop  }
0x126: {  	[tilespmem:s0], [sflag:$0x1] =	stream.strided.gather [hbm4b:s1+s10], $0x0, s11, s10, $0x38;
	[tilespmem:$0x10400] =	vst v63  }
0x127: {  	s5 =	sadd.s32 $0xB40, s18;
	s6 =	sadd.s32 s4, s22  }
0x128: {  	[tilespmem:s0], [sflag:$0x1] =	stream.linear.gather [hbm4b:s1+s2], $0x40, $0x38;
	[tilespmem:$0x10400] =	vst v63  }
0x129: {  	s0 =	sand.u32 $0x1FFFFFF0, s23  }
0x12a: {  	[tilespmem:s5], [sflag:$0x1] =	stream.strided.gather [hbm4b:s6+s10], $0x0, s11, s10, $0x38;
	[tilespmem:$0x10400] =	vst v63  }
0x12b: {  	s1 =	sadd.s32 $0xB80, s18;
	s0 =	sadd.s32 s3, s0  }
0x12c: {  	[tilespmem:s5], [sflag:$0x1] =	stream.linear.gather [hbm4b:s6+s2], $0x40, $0x38;
	[tilespmem:$0x10400] =	vst v63  }
0x12d: {  	s5 =	sand.u32 $0x1FFFFFF0, s19  }
0x12e: {  	[tilespmem:s1], [sflag:$0x1] =	stream.strided.gather [hbm4b:s0+s10], $0x0, s11, s10, $0x38;
	[tilespmem:$0x10400] =	vst v63  }
0x12f: {  	s6 =	sadd.s32 $0xBC0, s18;
	s5 =	sadd.s32 s4, s5  }
0x130: {  	[tilespmem:s1], [sflag:$0x1] =	stream.linear.gather [hbm4b:s0+s2], $0x40, $0x38;
	[tilespmem:$0x10400] =	vst v63  }
.Ltmp0:
0x131: {  	p1 =	seq.s32 s17, $0x0;
	(pc) =	sbr.rel @p0 .LBB2_2-.Ltmp0, $4  }
0x132: {  	[tilespmem:s6], [sflag:$0x1] =	stream.strided.gather [hbm4b:s5+s10], $0x0, s11, s10, $0x38;
	[tilespmem:$0x10400] =	vst v63  }
0x133: {  	s0 =	simm.s32 @!p1 $0x1  }
0x134: {  	[tilespmem:s6], [sflag:$0x1] =	stream.linear.gather [hbm4b:s5+s2], $0x40, $0x38;
	[tilespmem:$0x10400] =	vst v63  }
0x135: {  	s15 =	sadd.s32 $0x10, s15;
	_ =	swait.ge @!p1 [sflag:s0], $0x800  }
0x136: {  	[sflag:s0] =	ssyncset.done @!p1 $0x0  }
0x137: {  	s29 =	simm.s32 $0x1;
	[sflag:s0] =	ssyncadd.s32 @!p1 $0xFFFFF800  }
0x138: {  	_ =	swait.ge [sflag:s29], $0x800  }
0x139: {  	[sflag:s29] =	ssyncset.done $0x0  }
0x13a: {  	s30 =	rddreg [dreg:$0x6];
	[sflag:s29] =	ssyncadd.s32 $0xFFFFF800  }
0x13b: {  	[hbm4b:s30+s2] =	stream.linear.scatter [tilespmem:s11], [sflag:$0x2], $0x10000, $0x38;
	[tilespmem:$0x10400] =	vst v63  }
0x13c: {  	_ =	swait.ge [sflag:s9], $0x10000  }
0x13d: {  	s13 =	sadd.s32 $0x1, s13;
	s31 =	rddreg [dreg:$0x7]  }
0x13e: {  	p0 =	sne.s32 s13, s31  }
.Ltmp1:
0x13f: {  	_ = 	snop;
	(pc) =	sbr.rel @p0 .LBB2_1-.Ltmp1, $3  }
0x140: {  	_ =	sdelay $0x1  }
0x141: {  	[sflag:s9] =	ssyncset.done $0x0  }
0x142: {  	[sflag:s9] =	ssyncadd.s32 $0xFFFF0000  }
0x143: {  	_ =	sfence.sel $0x180000  }
0x144: {  	[bflag:$0x0] =	sbarrier.arrive $0xFFFF  }
0x145: {  	_ =	strace $0x90000047  }
0x146: {  	s0 =	stileid.u32;
	[bflag:$0x2] =	sbarrier.arrive $0xFFFF  }
0x147: {  	p0 =	sne.s32 s0, $0x0;
	s0 =	rddreg [dreg:$0x3]  }
0x148: {  	s0 =	sadd.s32 @!p0 $0x100000, s0  }
0x149: {  	[sflag:s0] =	ssyncadd.tile.s32 @!p0 $0x1;
	_ =	shalt  }
.Lfunc_end2:
_tile_overlayer_lowered:
.L_overlay_start_2:
0x14a: {  	(tag) =	ssettag $0x2  }
0x14b: {  	s0 =	rddreg [dreg:$0x0];
	s2 =	stileid.u32  }
0x14c: {  	s1 =	rddreg [dreg:$0x1];
	p0 =	sne.s32 s2, $0x0  }
0x14d: {  	s3 =	rddreg [dreg:$0x2];
	[bflag:$0x3] =	sbarrier.arrive $0xFFFF;
	s2 =	simm.s32 @!p0 $0x1C02  }
0x14e: {  	[timem:s3], [sflag:s2] =	dma.local @!p0 [hbm:s0], s1  }
0x14f: {  	s0 =	simm.s32 @!p0 $0x2  }
0x150: {  	_ =	swait.ge @!p0 [sflag:s0], s1  }
0x151: {  	s1 =	ssub.s32 @!p0 $0x0, s1;
	[sflag:s0] =	ssyncset.done @!p0 $0x0  }
0x152: {  	[sflag:s0] =	ssyncadd.s32 @!p0 s1  }
0x153: {  	[bflag:$0x3] =	sbarrier.arrive $0xFFFF  }
0x154: {  	_ =	shalt  }

</sc_bundles>
